<compile_context>
chip_gen: v7x
topology: tpu7x:2x2x1
jax: 0.10.2.dev20260603
libtpu: 0.0.44.dev20260713+nightly
codegen_flags: <defaults>
</compile_context>

<pallas_src>
import jax
import jax.numpy as jnp
from jax import lax
from jax.experimental import pallas as pl
from jax.experimental.pallas import tpu as pltpu
from jax.experimental.pallas import tpu_sc as plsc

VOCAB = 1_000_000
D = 16
B = 16384
NC, NS, L = 2, 16, 16
NW = NC * NS
BPW = B // NW
CH = 128
NCH = BPW // CH
PAD = D + 1

VC = 32768
Q = VC // 8
TGRID = -(-VOCAB // VC)
PROWS = TGRID * Q


def _tc_pack_body(in_ref, out_ref):
    x = in_ref[...]
    y = jnp.concatenate(
        [x[:, k * Q:(k + 1) * Q] for k in range(8)], axis=0)
    out_ref[...] = y.T


def _tc_pack(table_t):
    return pl.pallas_call(
        _tc_pack_body,
        grid=(TGRID,),
        in_specs=[pl.BlockSpec((D, VC), lambda g: (0, g))],
        out_specs=pl.BlockSpec((Q, 128), lambda g: (g, 0)),
        out_shape=jax.ShapeDtypeStruct((PROWS, 128), jnp.float32),
    )(table_t)


def _remap(r):
    return (((jnp.right_shift(r, 15) << 12) | (r & 4095)) << 3) | (
        jnp.right_shift(r, 12) & 7)


def _sc_body(center_hbm, context_hbm, table_hbm, out_hbm,
             idx_c, idx_x, rows_c, rows_x, prod, out_v, sem):
    wid = lax.axis_index("s") * NC + lax.axis_index("c")
    base = wid * BPW

    pltpu.sync_copy(center_hbm.at[pl.ds(base, BPW)], idx_c)
    pltpu.sync_copy(context_hbm.at[pl.ds(base, BPW)], idx_x)

    def remap_chunk(t, carry):
        sl = pl.ds(t * L, L)
        idx_c[sl] = _remap(idx_c[sl])
        idx_x[sl] = _remap(idx_x[sl])
        return carry

    lax.fori_loop(0, BPW // L, remap_chunk, 0)

    copies = []
    for j in range(NCH):
        copies.append(pltpu.async_copy(
            table_hbm.at[idx_c.at[pl.ds(j * CH, CH)]],
            rows_c.at[pl.ds(j * CH, CH)], sem))
        copies.append(pltpu.async_copy(
            table_hbm.at[idx_x.at[pl.ds(j * CH, CH)]],
            rows_x.at[pl.ds(j * CH, CH)], sem))
    for c in copies:
        c.wait()

    lanes = lax.iota(jnp.int32, L)

    def group(g, carry):
        row0 = g * L
        for r in range(L):
            i = row0 + r
            prod[pl.ds(i * PAD, D)] = rows_c[i] * rows_x[i]
        acc = jnp.zeros((L,), jnp.float32)
        rowoff = (row0 + lanes) * PAD
        for d in range(D):
            acc = acc + plsc.load_gather(prod, [rowoff + d])
        out_v[pl.ds(row0, L)] = acc
        return carry

    lax.fori_loop(0, BPW // L, group, 0)
    pltpu.sync_copy(out_v, out_hbm.at[pl.ds(base, BPW)])


@jax.jit
def kernel(center, context, embedding_weight):
    mesh = plsc.VectorSubcoreMesh(
        core_axis_name="c", subcore_axis_name="s",
        num_cores=NC, num_subcores=NS)
    run = pl.kernel(
        _sc_body,
        out_type=jax.ShapeDtypeStruct((B,), jnp.float32),
        mesh=mesh,
        compiler_params=pltpu.CompilerParams(needs_layout_passes=False,
                                             use_tc_tiling_on_sc=False),
        scratch_types=[
            pltpu.VMEM((BPW,), jnp.int32),
            pltpu.VMEM((BPW,), jnp.int32),
            pltpu.VMEM((BPW, D), jnp.float32),
            pltpu.VMEM((BPW, D), jnp.float32),
            pltpu.VMEM((BPW * PAD,), jnp.float32),
            pltpu.VMEM((BPW,), jnp.float32),
            pltpu.SemaphoreType.DMA,
        ],
    )
    packed = _tc_pack(embedding_weight.T).reshape(PROWS * 8, D)
    return run(center.astype(jnp.int32), context.astype(jnp.int32),
               packed)

# --- scband reference (transcript-rebuilt; emitter-appended) ---
"""Pipeline reference for scband-skip-gram-70557722738810 (READ-ONLY COPY).

The authoritative reference and input builder live on the scoring server;
editing this copy changes nothing except your own understanding.
"""

import jax, jax.numpy as jnp
import numpy as np

VOCAB_SIZE = 1000000
EMBED_SIZE = 16
BATCH = 16384


def setup_inputs(seed: int = 0) -> dict:
    key = jax.random.key(seed)
    k1, k2, k3 = jax.random.split(key, 3)
    center = jax.random.randint(k1, (BATCH,), 0, VOCAB_SIZE, dtype=jnp.int64 if jax.config.jax_enable_x64 else jnp.int32)
    context = jax.random.randint(k2, (BATCH,), 0, VOCAB_SIZE, dtype=jnp.int64 if jax.config.jax_enable_x64 else jnp.int32)
    embedding_weight = jax.random.normal(k3, (VOCAB_SIZE, EMBED_SIZE), dtype=jnp.float32)
    return {"center": center, "context": context, "embedding_weight": embedding_weight}


def reference(center, context, embedding_weight):
    # center_emb = self.embedding(center)
    center_emb = jnp.take(embedding_weight, center, axis=0)
    # context_emb = self.embedding(context)
    context_emb = jnp.take(embedding_weight, context, axis=0)
    # score = (center_emb * context_emb).sum(dim=1)
    score = jnp.sum(center_emb * context_emb, axis=1)
    return score

if __name__ == "__main__":
    import jax
    _d = setup_inputs()
    print(jax.jit(kernel)(*tuple(_d.values())))

</pallas_src>

<mosaic_0001>
#map = affine_map<(d0, d1) -> (0)>
#map1 = affine_map<(d0, d1) -> (0, 0)>
module attributes {stable_mosaic.version = 14 : i64} {
  func.func @_sc_body(%arg0: i32, %arg1: i32, %arg2: memref<16384xi32, #tpu.memory_space<hbm>>, %arg3: memref<16384xi32, #tpu.memory_space<hbm>>, %arg4: memref<1015808x16xf32, #tpu.memory_space<hbm>>, %arg5: memref<16384xf32, #tpu.memory_space<hbm>>, %arg6: memref<512xi32, #tpu.memory_space<vmem>>, %arg7: memref<512xi32, #tpu.memory_space<vmem>>, %arg8: memref<512x16xf32, #tpu.memory_space<vmem>>, %arg9: memref<512x16xf32, #tpu.memory_space<vmem>>, %arg10: memref<8704xf32, #tpu.memory_space<vmem>>, %arg11: memref<512xf32, #tpu.memory_space<vmem>>, %arg12: memref<!tpu.dma_semaphore, #tpu.memory_space<semaphore_mem>>) attributes {dimension_semantics = [#tpu.dimension_semantics<core_parallel>, #tpu.dimension_semantics<subcore_parallel>], iteration_bounds = array<i64: 2, 16>, scalar_prefetch = 0 : i64, scratch_operands = 7 : i64, tpu.core_type = #tpu.core_type<sc_vector_subcore>, window_params = [{transform_indices = #map}, {transform_indices = #map}, {transform_indices = #map1}, {transform_indices = #map}]} {
    %mul3A = arith.constant 2 : i32
    %mul3A_0 = arith.muli %arg1, %mul3A : i32
    %add3A = arith.addi %mul3A_0, %arg0 : i32
    %mul3A_1 = arith.constant 512 : i32
    %mul3A_2 = arith.muli %add3A, %mul3A_1 : i32
    "tpu.region"() ({
      %run_scoped3A = tpu.sem_alloc : memref<!tpu.dma_semaphore, #tpu.memory_space<semaphore_mem>>
      %dma_start3A_140 = tpu.memref_slice %arg2[%mul3A_2] : memref<16384xi32, #tpu.memory_space<hbm>> -> memref<512xi32, #tpu.memory_space<hbm>>
      %dma_start3A_141 = tpu.memref_slice %arg2[%mul3A_2] : memref<16384xi32, #tpu.memory_space<hbm>> -> memref<512xi32, #tpu.memory_space<hbm>>
      tpu.enqueue_dma source(%dma_start3A_141 : memref<512xi32, #tpu.memory_space<hbm>>) target(%arg6 : memref<512xi32, #tpu.memory_space<vmem>>) target_semaphore(%run_scoped3A : memref<!tpu.dma_semaphore, #tpu.memory_space<semaphore_mem>>)
      %dma_wait3A_142 = tpu.memref_slice %arg2[%mul3A_2] : memref<16384xi32, #tpu.memory_space<hbm>> -> memref<512xi32, #tpu.memory_space<hbm>>
      %dma_wait3A_143 = tpu.memref_slice %arg2[%mul3A_2] : memref<16384xi32, #tpu.memory_space<hbm>> -> memref<512xi32, #tpu.memory_space<hbm>>
      tpu.wait_dma2 semaphore(%run_scoped3A : memref<!tpu.dma_semaphore, #tpu.memory_space<semaphore_mem>>) src(%dma_wait3A_143 : memref<512xi32, #tpu.memory_space<hbm>>) dst(%arg6 : memref<512xi32, #tpu.memory_space<vmem>>)
      tpu.yield
    }) : () -> ()
    "tpu.region"() ({
      %run_scoped3A = tpu.sem_alloc : memref<!tpu.dma_semaphore, #tpu.memory_space<semaphore_mem>>
      %dma_start3A_140 = tpu.memref_slice %arg3[%mul3A_2] : memref<16384xi32, #tpu.memory_space<hbm>> -> memref<512xi32, #tpu.memory_space<hbm>>
      %dma_start3A_141 = tpu.memref_slice %arg3[%mul3A_2] : memref<16384xi32, #tpu.memory_space<hbm>> -> memref<512xi32, #tpu.memory_space<hbm>>
      tpu.enqueue_dma source(%dma_start3A_141 : memref<512xi32, #tpu.memory_space<hbm>>) target(%arg7 : memref<512xi32, #tpu.memory_space<vmem>>) target_semaphore(%run_scoped3A : memref<!tpu.dma_semaphore, #tpu.memory_space<semaphore_mem>>)
      %dma_wait3A_142 = tpu.memref_slice %arg3[%mul3A_2] : memref<16384xi32, #tpu.memory_space<hbm>> -> memref<512xi32, #tpu.memory_space<hbm>>
      %dma_wait3A_143 = tpu.memref_slice %arg3[%mul3A_2] : memref<16384xi32, #tpu.memory_space<hbm>> -> memref<512xi32, #tpu.memory_space<hbm>>
      tpu.wait_dma2 semaphore(%run_scoped3A : memref<!tpu.dma_semaphore, #tpu.memory_space<semaphore_mem>>) src(%dma_wait3A_143 : memref<512xi32, #tpu.memory_space<hbm>>) dst(%arg7 : memref<512xi32, #tpu.memory_space<vmem>>)
      tpu.yield
    }) : () -> ()
    %scan3A = arith.constant 0 : i32
    %scan3A_3 = arith.constant 0 : i32
    %scan3A_4 = arith.constant 32 : i32
    %scan3A_5 = arith.addi %scan3A_3, %scan3A_4 : i32
    %scan3A_6 = arith.constant 1 : i32
    scf.for %scan3A_140 = %scan3A_3 to %scan3A_5 step %scan3A_6  : i32 {
      %mul3A_141 = arith.constant 16 : i32
      %mul3A_142 = arith.muli %scan3A_140, %mul3A_141 : i32
      %get3A = arith.index_cast %mul3A_142 : i32 to index
      %get3A_143 = tpu.vector_load %arg6[%get3A] {strides = array<i32>} : memref<512xi32, #tpu.memory_space<vmem>>, vector<16xi32>,
      %shift_right_arithmetic3A = arith.constant 15 : i32
      %shift_right_arithmetic3A_144 = vector.broadcast %shift_right_arithmetic3A : i32 to vector<16xi32>
      %shift_right_arithmetic3A_145 = arith.shrsi %get3A_143, %shift_right_arithmetic3A_144 : vector<16xi32>
      %shift_left3A = arith.constant 12 : i32
      %shift_left3A_146 = vector.broadcast %shift_left3A : i32 to vector<16xi32>
      %shift_left3A_147 = arith.shli %shift_right_arithmetic3A_145, %shift_left3A_146 : vector<16xi32>
      %and3A = arith.constant 4095 : i32
      %and3A_148 = vector.broadcast %and3A : i32 to vector<16xi32>
      %and3A_149 = arith.andi %get3A_143, %and3A_148 : vector<16xi32>
      %or3A = arith.ori %shift_left3A_147, %and3A_149 : vector<16xi32>
      %shift_left3A_150 = arith.constant 3 : i32
      %shift_left3A_151 = vector.broadcast %shift_left3A_150 : i32 to vector<16xi32>
      %shift_left3A_152 = arith.shli %or3A, %shift_left3A_151 : vector<16xi32>
      %shift_right_arithmetic3A_153 = arith.constant 12 : i32
      %shift_right_arithmetic3A_154 = vector.broadcast %shift_right_arithmetic3A_153 : i32 to vector<16xi32>
      %shift_right_arithmetic3A_155 = arith.shrsi %get3A_143, %shift_right_arithmetic3A_154 : vector<16xi32>
      %and3A_156 = arith.constant 7 : i32
      %and3A_157 = vector.broadcast %and3A_156 : i32 to vector<16xi32>
      %and3A_158 = arith.andi %shift_right_arithmetic3A_155, %and3A_157 : vector<16xi32>
      %or3A_159 = arith.ori %shift_left3A_152, %and3A_158 : vector<16xi32>
      %swap3A = arith.index_cast %mul3A_142 : i32 to index
      %swap3A_160 = tpu.vector_load %arg6[%swap3A] {strides = array<i32>} : memref<512xi32, #tpu.memory_space<vmem>>, vector<16xi32>,
      tpu.vector_store %arg6[%swap3A], %or3A_159 {strides = array<i32>} : memref<512xi32, #tpu.memory_space<vmem>>, vector<16xi32>,
      %get3A_161 = arith.index_cast %mul3A_142 : i32 to index
      %get3A_162 = tpu.vector_load %arg7[%get3A_161] {strides = array<i32>} : memref<512xi32, #tpu.memory_space<vmem>>, vector<16xi32>,
      %shift_right_arithmetic3A_163 = arith.constant 15 : i32
      %shift_right_arithmetic3A_164 = vector.broadcast %shift_right_arithmetic3A_163 : i32 to vector<16xi32>
      %shift_right_arithmetic3A_165 = arith.shrsi %get3A_162, %shift_right_arithmetic3A_164 : vector<16xi32>
      %shift_left3A_166 = arith.constant 12 : i32
      %shift_left3A_167 = vector.broadcast %shift_left3A_166 : i32 to vector<16xi32>
      %shift_left3A_168 = arith.shli %shift_right_arithmetic3A_165, %shift_left3A_167 : vector<16xi32>
      %and3A_169 = arith.constant 4095 : i32
      %and3A_170 = vector.broadcast %and3A_169 : i32 to vector<16xi32>
      %and3A_171 = arith.andi %get3A_162, %and3A_170 : vector<16xi32>
      %or3A_172 = arith.ori %shift_left3A_168, %and3A_171 : vector<16xi32>
      %shift_left3A_173 = arith.constant 3 : i32
      %shift_left3A_174 = vector.broadcast %shift_left3A_173 : i32 to vector<16xi32>
      %shift_left3A_175 = arith.shli %or3A_172, %shift_left3A_174 : vector<16xi32>
      %shift_right_arithmetic3A_176 = arith.constant 12 : i32
      %shift_right_arithmetic3A_177 = vector.broadcast %shift_right_arithmetic3A_176 : i32 to vector<16xi32>
      %shift_right_arithmetic3A_178 = arith.shrsi %get3A_162, %shift_right_arithmetic3A_177 : vector<16xi32>
      %and3A_179 = arith.constant 7 : i32
      %and3A_180 = vector.broadcast %and3A_179 : i32 to vector<16xi32>
      %and3A_181 = arith.andi %shift_right_arithmetic3A_178, %and3A_180 : vector<16xi32>
      %or3A_182 = arith.ori %shift_left3A_175, %and3A_181 : vector<16xi32>
      %swap3A_183 = arith.index_cast %mul3A_142 : i32 to index
      %swap3A_184 = tpu.vector_load %arg7[%swap3A_183] {strides = array<i32>} : memref<512xi32, #tpu.memory_space<vmem>>, vector<16xi32>,
      tpu.vector_store %arg7[%swap3A_183], %or3A_182 {strides = array<i32>} : memref<512xi32, #tpu.memory_space<vmem>>, vector<16xi32>,
    }
    %scan3A_7 = arith.constant 32 : i32
    %dma_start3A = arith.constant 0 : i32
    %dma_start3A_8 = arith.constant 0 : i32
    %dma_start3A_9 = tpu.memref_slice %arg8[%dma_start3A, %dma_start3A_8] : memref<512x16xf32, #tpu.memory_space<vmem>> -> memref<128x16xf32, #tpu.memory_space<vmem>>
    %dma_start3A_10 = arith.constant 0 : i32
    %dma_start3A_11 = tpu.memref_slice %arg6[%dma_start3A_10] : memref<512xi32, #tpu.memory_space<vmem>> -> memref<128xi32, #tpu.memory_space<vmem>>
    %dma_start3A_12 = arith.constant 0 : i32
    %dma_start3A_13 = arith.constant 0 : i32
    %dma_start3A_14 = tpu.memref_slice %arg4[%dma_start3A_12, %dma_start3A_13] : memref<1015808x16xf32, #tpu.memory_space<hbm>> -> memref<1015808x16xf32, #tpu.memory_space<hbm>>
    tpu.enqueue_indirect_dma source(%dma_start3A_14 : memref<1015808x16xf32, #tpu.memory_space<hbm>>) target(%dma_start3A_9 : memref<128x16xf32, #tpu.memory_space<vmem>>) offsets(%dma_start3A_11 : memref<128xi32, #tpu.memory_space<vmem>>) semaphore(%arg12 : memref<!tpu.dma_semaphore, #tpu.memory_space<semaphore_mem>>)
    %dma_start3A_15 = arith.constant 0 : i32
    %dma_start3A_16 = arith.constant 0 : i32
    %dma_start3A_17 = tpu.memref_slice %arg9[%dma_start3A_15, %dma_start3A_16] : memref<512x16xf32, #tpu.memory_space<vmem>> -> memref<128x16xf32, #tpu.memory_space<vmem>>
    %dma_start3A_18 = arith.constant 0 : i32
    %dma_start3A_19 = tpu.memref_slice %arg7[%dma_start3A_18] : memref<512xi32, #tpu.memory_space<vmem>> -> memref<128xi32, #tpu.memory_space<vmem>>
    %dma_start3A_20 = arith.constant 0 : i32
    %dma_start3A_21 = arith.constant 0 : i32
    %dma_start3A_22 = tpu.memref_slice %arg4[%dma_start3A_20, %dma_start3A_21] : memref<1015808x16xf32, #tpu.memory_space<hbm>> -> memref<1015808x16xf32, #tpu.memory_space<hbm>>
    tpu.enqueue_indirect_dma source(%dma_start3A_22 : memref<1015808x16xf32, #tpu.memory_space<hbm>>) target(%dma_start3A_17 : memref<128x16xf32, #tpu.memory_space<vmem>>) offsets(%dma_start3A_19 : memref<128xi32, #tpu.memory_space<vmem>>) semaphore(%arg12 : memref<!tpu.dma_semaphore, #tpu.memory_space<semaphore_mem>>)
    %dma_start3A_23 = arith.constant 128 : i32
    %dma_start3A_24 = arith.constant 0 : i32
    %dma_start3A_25 = tpu.memref_slice %arg8[%dma_start3A_23, %dma_start3A_24] : memref<512x16xf32, #tpu.memory_space<vmem>> -> memref<128x16xf32, #tpu.memory_space<vmem>>
    %dma_start3A_26 = arith.constant 128 : i32
    %dma_start3A_27 = tpu.memref_slice %arg6[%dma_start3A_26] : memref<512xi32, #tpu.memory_space<vmem>> -> memref<128xi32, #tpu.memory_space<vmem>>
    %dma_start3A_28 = arith.constant 0 : i32
    %dma_start3A_29 = arith.constant 0 : i32
    %dma_start3A_30 = tpu.memref_slice %arg4[%dma_start3A_28, %dma_start3A_29] : memref<1015808x16xf32, #tpu.memory_space<hbm>> -> memref<1015808x16xf32, #tpu.memory_space<hbm>>
    tpu.enqueue_indirect_dma source(%dma_start3A_30 : memref<1015808x16xf32, #tpu.memory_space<hbm>>) target(%dma_start3A_25 : memref<128x16xf32, #tpu.memory_space<vmem>>) offsets(%dma_start3A_27 : memref<128xi32, #tpu.memory_space<vmem>>) semaphore(%arg12 : memref<!tpu.dma_semaphore, #tpu.memory_space<semaphore_mem>>)
    %dma_start3A_31 = arith.constant 128 : i32
    %dma_start3A_32 = arith.constant 0 : i32
    %dma_start3A_33 = tpu.memref_slice %arg9[%dma_start3A_31, %dma_start3A_32] : memref<512x16xf32, #tpu.memory_space<vmem>> -> memref<128x16xf32, #tpu.memory_space<vmem>>
    %dma_start3A_34 = arith.constant 128 : i32
    %dma_start3A_35 = tpu.memref_slice %arg7[%dma_start3A_34] : memref<512xi32, #tpu.memory_space<vmem>> -> memref<128xi32, #tpu.memory_space<vmem>>
    %dma_start3A_36 = arith.constant 0 : i32
    %dma_start3A_37 = arith.constant 0 : i32
    %dma_start3A_38 = tpu.memref_slice %arg4[%dma_start3A_36, %dma_start3A_37] : memref<1015808x16xf32, #tpu.memory_space<hbm>> -> memref<1015808x16xf32, #tpu.memory_space<hbm>>
    tpu.enqueue_indirect_dma source(%dma_start3A_38 : memref<1015808x16xf32, #tpu.memory_space<hbm>>) target(%dma_start3A_33 : memref<128x16xf32, #tpu.memory_space<vmem>>) offsets(%dma_start3A_35 : memref<128xi32, #tpu.memory_space<vmem>>) semaphore(%arg12 : memref<!tpu.dma_semaphore, #tpu.memory_space<semaphore_mem>>)
    %dma_start3A_39 = arith.constant 256 : i32
    %dma_start3A_40 = arith.constant 0 : i32
    %dma_start3A_41 = tpu.memref_slice %arg8[%dma_start3A_39, %dma_start3A_40] : memref<512x16xf32, #tpu.memory_space<vmem>> -> memref<128x16xf32, #tpu.memory_space<vmem>>
    %dma_start3A_42 = arith.constant 256 : i32
    %dma_start3A_43 = tpu.memref_slice %arg6[%dma_start3A_42] : memref<512xi32, #tpu.memory_space<vmem>> -> memref<128xi32, #tpu.memory_space<vmem>>
    %dma_start3A_44 = arith.constant 0 : i32
    %dma_start3A_45 = arith.constant 0 : i32
    %dma_start3A_46 = tpu.memref_slice %arg4[%dma_start3A_44, %dma_start3A_45] : memref<1015808x16xf32, #tpu.memory_space<hbm>> -> memref<1015808x16xf32, #tpu.memory_space<hbm>>
    tpu.enqueue_indirect_dma source(%dma_start3A_46 : memref<1015808x16xf32, #tpu.memory_space<hbm>>) target(%dma_start3A_41 : memref<128x16xf32, #tpu.memory_space<vmem>>) offsets(%dma_start3A_43 : memref<128xi32, #tpu.memory_space<vmem>>) semaphore(%arg12 : memref<!tpu.dma_semaphore, #tpu.memory_space<semaphore_mem>>)
    %dma_start3A_47 = arith.constant 256 : i32
    %dma_start3A_48 = arith.constant 0 : i32
    %dma_start3A_49 = tpu.memref_slice %arg9[%dma_start3A_47, %dma_start3A_48] : memref<512x16xf32, #tpu.memory_space<vmem>> -> memref<128x16xf32, #tpu.memory_space<vmem>>
    %dma_start3A_50 = arith.constant 256 : i32
    %dma_start3A_51 = tpu.memref_slice %arg7[%dma_start3A_50] : memref<512xi32, #tpu.memory_space<vmem>> -> memref<128xi32, #tpu.memory_space<vmem>>
    %dma_start3A_52 = arith.constant 0 : i32
    %dma_start3A_53 = arith.constant 0 : i32
    %dma_start3A_54 = tpu.memref_slice %arg4[%dma_start3A_52, %dma_start3A_53] : memref<1015808x16xf32, #tpu.memory_space<hbm>> -> memref<1015808x16xf32, #tpu.memory_space<hbm>>
    tpu.enqueue_indirect_dma source(%dma_start3A_54 : memref<1015808x16xf32, #tpu.memory_space<hbm>>) target(%dma_start3A_49 : memref<128x16xf32, #tpu.memory_space<vmem>>) offsets(%dma_start3A_51 : memref<128xi32, #tpu.memory_space<vmem>>) semaphore(%arg12 : memref<!tpu.dma_semaphore, #tpu.memory_space<semaphore_mem>>)
    %dma_start3A_55 = arith.constant 384 : i32
    %dma_start3A_56 = arith.constant 0 : i32
    %dma_start3A_57 = tpu.memref_slice %arg8[%dma_start3A_55, %dma_start3A_56] : memref<512x16xf32, #tpu.memory_space<vmem>> -> memref<128x16xf32, #tpu.memory_space<vmem>>
    %dma_start3A_58 = arith.constant 384 : i32
    %dma_start3A_59 = tpu.memref_slice %arg6[%dma_start3A_58] : memref<512xi32, #tpu.memory_space<vmem>> -> memref<128xi32, #tpu.memory_space<vmem>>
    %dma_start3A_60 = arith.constant 0 : i32
    %dma_start3A_61 = arith.constant 0 : i32
    %dma_start3A_62 = tpu.memref_slice %arg4[%dma_start3A_60, %dma_start3A_61] : memref<1015808x16xf32, #tpu.memory_space<hbm>> -> memref<1015808x16xf32, #tpu.memory_space<hbm>>
    tpu.enqueue_indirect_dma source(%dma_start3A_62 : memref<1015808x16xf32, #tpu.memory_space<hbm>>) target(%dma_start3A_57 : memref<128x16xf32, #tpu.memory_space<vmem>>) offsets(%dma_start3A_59 : memref<128xi32, #tpu.memory_space<vmem>>) semaphore(%arg12 : memref<!tpu.dma_semaphore, #tpu.memory_space<semaphore_mem>>)
    %dma_start3A_63 = arith.constant 384 : i32
    %dma_start3A_64 = arith.constant 0 : i32
    %dma_start3A_65 = tpu.memref_slice %arg9[%dma_start3A_63, %dma_start3A_64] : memref<512x16xf32, #tpu.memory_space<vmem>> -> memref<128x16xf32, #tpu.memory_space<vmem>>
    %dma_start3A_66 = arith.constant 384 : i32
    %dma_start3A_67 = tpu.memref_slice %arg7[%dma_start3A_66] : memref<512xi32, #tpu.memory_space<vmem>> -> memref<128xi32, #tpu.memory_space<vmem>>
    %dma_start3A_68 = arith.constant 0 : i32
    %dma_start3A_69 = arith.constant 0 : i32
    %dma_start3A_70 = tpu.memref_slice %arg4[%dma_start3A_68, %dma_start3A_69] : memref<1015808x16xf32, #tpu.memory_space<hbm>> -> memref<1015808x16xf32, #tpu.memory_space<hbm>>
    tpu.enqueue_indirect_dma source(%dma_start3A_70 : memref<1015808x16xf32, #tpu.memory_space<hbm>>) target(%dma_start3A_65 : memref<128x16xf32, #tpu.memory_space<vmem>>) offsets(%dma_start3A_67 : memref<128xi32, #tpu.memory_space<vmem>>) semaphore(%arg12 : memref<!tpu.dma_semaphore, #tpu.memory_space<semaphore_mem>>)
    %dma_wait3A = arith.constant 0 : i32
    %dma_wait3A_71 = arith.constant 0 : i32
    %dma_wait3A_72 = tpu.memref_slice %arg8[%dma_wait3A, %dma_wait3A_71] : memref<512x16xf32, #tpu.memory_space<vmem>> -> memref<128x16xf32, #tpu.memory_space<vmem>>
    %dma_wait3A_73 = arith.constant 0 : i32
    %dma_wait3A_74 = tpu.memref_slice %arg6[%dma_wait3A_73] : memref<512xi32, #tpu.memory_space<vmem>> -> memref<128xi32, #tpu.memory_space<vmem>>
    %dma_wait3A_75 = arith.constant 0 : i32
    %dma_wait3A_76 = arith.constant 0 : i32
    %dma_wait3A_77 = tpu.memref_slice %arg4[%dma_wait3A_75, %dma_wait3A_76] : memref<1015808x16xf32, #tpu.memory_space<hbm>> -> memref<1015808x16xf32, #tpu.memory_space<hbm>>
    tpu.wait_indirect_dma semaphore(%arg12 : memref<!tpu.dma_semaphore, #tpu.memory_space<semaphore_mem>>) src(%dma_wait3A_77 : memref<1015808x16xf32, #tpu.memory_space<hbm>>) dst(%dma_wait3A_72 : memref<128x16xf32, #tpu.memory_space<vmem>>)
    %dma_wait3A_78 = arith.constant 0 : i32
    %dma_wait3A_79 = arith.constant 0 : i32
    %dma_wait3A_80 = tpu.memref_slice %arg9[%dma_wait3A_78, %dma_wait3A_79] : memref<512x16xf32, #tpu.memory_space<vmem>> -> memref<128x16xf32, #tpu.memory_space<vmem>>
    %dma_wait3A_81 = arith.constant 0 : i32
    %dma_wait3A_82 = tpu.memref_slice %arg7[%dma_wait3A_81] : memref<512xi32, #tpu.memory_space<vmem>> -> memref<128xi32, #tpu.memory_space<vmem>>
    %dma_wait3A_83 = arith.constant 0 : i32
    %dma_wait3A_84 = arith.constant 0 : i32
    %dma_wait3A_85 = tpu.memref_slice %arg4[%dma_wait3A_83, %dma_wait3A_84] : memref<1015808x16xf32, #tpu.memory_space<hbm>> -> memref<1015808x16xf32, #tpu.memory_space<hbm>>
    tpu.wait_indirect_dma semaphore(%arg12 : memref<!tpu.dma_semaphore, #tpu.memory_space<semaphore_mem>>) src(%dma_wait3A_85 : memref<1015808x16xf32, #tpu.memory_space<hbm>>) dst(%dma_wait3A_80 : memref<128x16xf32, #tpu.memory_space<vmem>>)
    %dma_wait3A_86 = arith.constant 128 : i32
    %dma_wait3A_87 = arith.constant 0 : i32
    %dma_wait3A_88 = tpu.memref_slice %arg8[%dma_wait3A_86, %dma_wait3A_87] : memref<512x16xf32, #tpu.memory_space<vmem>> -> memref<128x16xf32, #tpu.memory_space<vmem>>
    %dma_wait3A_89 = arith.constant 128 : i32
    %dma_wait3A_90 = tpu.memref_slice %arg6[%dma_wait3A_89] : memref<512xi32, #tpu.memory_space<vmem>> -> memref<128xi32, #tpu.memory_space<vmem>>
    %dma_wait3A_91 = arith.constant 0 : i32
    %dma_wait3A_92 = arith.constant 0 : i32
    %dma_wait3A_93 = tpu.memref_slice %arg4[%dma_wait3A_91, %dma_wait3A_92] : memref<1015808x16xf32, #tpu.memory_space<hbm>> -> memref<1015808x16xf32, #tpu.memory_space<hbm>>
    tpu.wait_indirect_dma semaphore(%arg12 : memref<!tpu.dma_semaphore, #tpu.memory_space<semaphore_mem>>) src(%dma_wait3A_93 : memref<1015808x16xf32, #tpu.memory_space<hbm>>) dst(%dma_wait3A_88 : memref<128x16xf32, #tpu.memory_space<vmem>>)
    %dma_wait3A_94 = arith.constant 128 : i32
    %dma_wait3A_95 = arith.constant 0 : i32
    %dma_wait3A_96 = tpu.memref_slice %arg9[%dma_wait3A_94, %dma_wait3A_95] : memref<512x16xf32, #tpu.memory_space<vmem>> -> memref<128x16xf32, #tpu.memory_space<vmem>>
    %dma_wait3A_97 = arith.constant 128 : i32
    %dma_wait3A_98 = tpu.memref_slice %arg7[%dma_wait3A_97] : memref<512xi32, #tpu.memory_space<vmem>> -> memref<128xi32, #tpu.memory_space<vmem>>
    %dma_wait3A_99 = arith.constant 0 : i32
    %dma_wait3A_100 = arith.constant 0 : i32
    %dma_wait3A_101 = tpu.memref_slice %arg4[%dma_wait3A_99, %dma_wait3A_100] : memref<1015808x16xf32, #tpu.memory_space<hbm>> -> memref<1015808x16xf32, #tpu.memory_space<hbm>>
    tpu.wait_indirect_dma semaphore(%arg12 : memref<!tpu.dma_semaphore, #tpu.memory_space<semaphore_mem>>) src(%dma_wait3A_101 : memref<1015808x16xf32, #tpu.memory_space<hbm>>) dst(%dma_wait3A_96 : memref<128x16xf32, #tpu.memory_space<vmem>>)
    %dma_wait3A_102 = arith.constant 256 : i32
    %dma_wait3A_103 = arith.constant 0 : i32
    %dma_wait3A_104 = tpu.memref_slice %arg8[%dma_wait3A_102, %dma_wait3A_103] : memref<512x16xf32, #tpu.memory_space<vmem>> -> memref<128x16xf32, #tpu.memory_space<vmem>>
    %dma_wait3A_105 = arith.constant 256 : i32
    %dma_wait3A_106 = tpu.memref_slice %arg6[%dma_wait3A_105] : memref<512xi32, #tpu.memory_space<vmem>> -> memref<128xi32, #tpu.memory_space<vmem>>
    %dma_wait3A_107 = arith.constant 0 : i32
    %dma_wait3A_108 = arith.constant 0 : i32
    %dma_wait3A_109 = tpu.memref_slice %arg4[%dma_wait3A_107, %dma_wait3A_108] : memref<1015808x16xf32, #tpu.memory_space<hbm>> -> memref<1015808x16xf32, #tpu.memory_space<hbm>>
    tpu.wait_indirect_dma semaphore(%arg12 : memref<!tpu.dma_semaphore, #tpu.memory_space<semaphore_mem>>) src(%dma_wait3A_109 : memref<1015808x16xf32, #tpu.memory_space<hbm>>) dst(%dma_wait3A_104 : memref<128x16xf32, #tpu.memory_space<vmem>>)
    %dma_wait3A_110 = arith.constant 256 : i32
    %dma_wait3A_111 = arith.constant 0 : i32
    %dma_wait3A_112 = tpu.memref_slice %arg9[%dma_wait3A_110, %dma_wait3A_111] : memref<512x16xf32, #tpu.memory_space<vmem>> -> memref<128x16xf32, #tpu.memory_space<vmem>>
    %dma_wait3A_113 = arith.constant 256 : i32
    %dma_wait3A_114 = tpu.memref_slice %arg7[%dma_wait3A_113] : memref<512xi32, #tpu.memory_space<vmem>> -> memref<128xi32, #tpu.memory_space<vmem>>
    %dma_wait3A_115 = arith.constant 0 : i32
    %dma_wait3A_116 = arith.constant 0 : i32
    %dma_wait3A_117 = tpu.memref_slice %arg4[%dma_wait3A_115, %dma_wait3A_116] : memref<1015808x16xf32, #tpu.memory_space<hbm>> -> memref<1015808x16xf32, #tpu.memory_space<hbm>>
    tpu.wait_indirect_dma semaphore(%arg12 : memref<!tpu.dma_semaphore, #tpu.memory_space<semaphore_mem>>) src(%dma_wait3A_117 : memref<1015808x16xf32, #tpu.memory_space<hbm>>) dst(%dma_wait3A_112 : memref<128x16xf32, #tpu.memory_space<vmem>>)
    %dma_wait3A_118 = arith.constant 384 : i32
    %dma_wait3A_119 = arith.constant 0 : i32
    %dma_wait3A_120 = tpu.memref_slice %arg8[%dma_wait3A_118, %dma_wait3A_119] : memref<512x16xf32, #tpu.memory_space<vmem>> -> memref<128x16xf32, #tpu.memory_space<vmem>>
    %dma_wait3A_121 = arith.constant 384 : i32
    %dma_wait3A_122 = tpu.memref_slice %arg6[%dma_wait3A_121] : memref<512xi32, #tpu.memory_space<vmem>> -> memref<128xi32, #tpu.memory_space<vmem>>
    %dma_wait3A_123 = arith.constant 0 : i32
    %dma_wait3A_124 = arith.constant 0 : i32
    %dma_wait3A_125 = tpu.memref_slice %arg4[%dma_wait3A_123, %dma_wait3A_124] : memref<1015808x16xf32, #tpu.memory_space<hbm>> -> memref<1015808x16xf32, #tpu.memory_space<hbm>>
    tpu.wait_indirect_dma semaphore(%arg12 : memref<!tpu.dma_semaphore, #tpu.memory_space<semaphore_mem>>) src(%dma_wait3A_125 : memref<1015808x16xf32, #tpu.memory_space<hbm>>) dst(%dma_wait3A_120 : memref<128x16xf32, #tpu.memory_space<vmem>>)
    %dma_wait3A_126 = arith.constant 384 : i32
    %dma_wait3A_127 = arith.constant 0 : i32
    %dma_wait3A_128 = tpu.memref_slice %arg9[%dma_wait3A_126, %dma_wait3A_127] : memref<512x16xf32, #tpu.memory_space<vmem>> -> memref<128x16xf32, #tpu.memory_space<vmem>>
    %dma_wait3A_129 = arith.constant 384 : i32
    %dma_wait3A_130 = tpu.memref_slice %arg7[%dma_wait3A_129] : memref<512xi32, #tpu.memory_space<vmem>> -> memref<128xi32, #tpu.memory_space<vmem>>
    %dma_wait3A_131 = arith.constant 0 : i32
    %dma_wait3A_132 = arith.constant 0 : i32
    %dma_wait3A_133 = tpu.memref_slice %arg4[%dma_wait3A_131, %dma_wait3A_132] : memref<1015808x16xf32, #tpu.memory_space<hbm>> -> memref<1015808x16xf32, #tpu.memory_space<hbm>>
    tpu.wait_indirect_dma semaphore(%arg12 : memref<!tpu.dma_semaphore, #tpu.memory_space<semaphore_mem>>) src(%dma_wait3A_133 : memref<1015808x16xf32, #tpu.memory_space<hbm>>) dst(%dma_wait3A_128 : memref<128x16xf32, #tpu.memory_space<vmem>>)
    %iota3A = tpu.iota {dimensions = array<i32: 0>} : vector<16xi32>
    %scan3A_134 = arith.constant 0 : i32
    %scan3A_135 = arith.constant 0 : i32
    %scan3A_136 = arith.constant 32 : i32
    %scan3A_137 = arith.addi %scan3A_135, %scan3A_136 : i32
    %scan3A_138 = arith.constant 1 : i32
    scf.for %scan3A_140 = %scan3A_135 to %scan3A_137 step %scan3A_138  : i32 {
      %mul3A_141 = arith.constant 16 : i32
      %mul3A_142 = arith.muli %scan3A_140, %mul3A_141 : i32
      %add3A_143 = arith.constant 0 : i32
      %add3A_144 = arith.addi %mul3A_142, %add3A_143 : i32
      %get3A = arith.index_cast %add3A_144 : i32 to index
      %get3A_145 = arith.constant 0 : index
      %get3A_146 = tpu.vector_load %arg8[%get3A, %get3A_145] {strides = array<i32>} : memref<512x16xf32, #tpu.memory_space<vmem>>, vector<16xf32>,
      %get3A_147 = arith.index_cast %add3A_144 : i32 to index
      %get3A_148 = arith.constant 0 : index
      %get3A_149 = tpu.vector_load %arg9[%get3A_147, %get3A_148] {strides = array<i32>} : memref<512x16xf32, #tpu.memory_space<vmem>>, vector<16xf32>,
      %mul3A_150 = arith.mulf %get3A_146, %get3A_149 : vector<16xf32>
      %mul3A_151 = arith.constant 17 : i32
      %mul3A_152 = arith.muli %add3A_144, %mul3A_151 : i32
      %swap3A = arith.index_cast %mul3A_152 : i32 to index
      %swap3A_153 = tpu.vector_load %arg10[%swap3A] {strides = array<i32>} : memref<8704xf32, #tpu.memory_space<vmem>>, vector<16xf32>,
      tpu.vector_store %arg10[%swap3A], %mul3A_150 {strides = array<i32>} : memref<8704xf32, #tpu.memory_space<vmem>>, vector<16xf32>,
      %add3A_154 = arith.constant 1 : i32
      %add3A_155 = arith.addi %mul3A_142, %add3A_154 : i32
      %get3A_156 = arith.index_cast %add3A_155 : i32 to index
      %get3A_157 = arith.constant 0 : index
      %get3A_158 = tpu.vector_load %arg8[%get3A_156, %get3A_157] {strides = array<i32>} : memref<512x16xf32, #tpu.memory_space<vmem>>, vector<16xf32>,
      %get3A_159 = arith.index_cast %add3A_155 : i32 to index
      %get3A_160 = arith.constant 0 : index
      %get3A_161 = tpu.vector_load %arg9[%get3A_159, %get3A_160] {strides = array<i32>} : memref<512x16xf32, #tpu.memory_space<vmem>>, vector<16xf32>,
      %mul3A_162 = arith.mulf %get3A_158, %get3A_161 : vector<16xf32>
      %mul3A_163 = arith.constant 17 : i32
      %mul3A_164 = arith.muli %add3A_155, %mul3A_163 : i32
      %swap3A_165 = arith.index_cast %mul3A_164 : i32 to index
      %swap3A_166 = tpu.vector_load %arg10[%swap3A_165] {strides = array<i32>} : memref<8704xf32, #tpu.memory_space<vmem>>, vector<16xf32>,
      tpu.vector_store %arg10[%swap3A_165], %mul3A_162 {strides = array<i32>} : memref<8704xf32, #tpu.memory_space<vmem>>, vector<16xf32>,
      %add3A_167 = arith.constant 2 : i32
      %add3A_168 = arith.addi %mul3A_142, %add3A_167 : i32
      %get3A_169 = arith.index_cast %add3A_168 : i32 to index
      %get3A_170 = arith.constant 0 : index
      %get3A_171 = tpu.vector_load %arg8[%get3A_169, %get3A_170] {strides = array<i32>} : memref<512x16xf32, #tpu.memory_space<vmem>>, vector<16xf32>,
      %get3A_172 = arith.index_cast %add3A_168 : i32 to index
      %get3A_173 = arith.constant 0 : index
      %get3A_174 = tpu.vector_load %arg9[%get3A_172, %get3A_173] {strides = array<i32>} : memref<512x16xf32, #tpu.memory_space<vmem>>, vector<16xf32>,
      %mul3A_175 = arith.mulf %get3A_171, %get3A_174 : vector<16xf32>
      %mul3A_176 = arith.constant 17 : i32
      %mul3A_177 = arith.muli %add3A_168, %mul3A_176 : i32
      %swap3A_178 = arith.index_cast %mul3A_177 : i32 to index
      %swap3A_179 = tpu.vector_load %arg10[%swap3A_178] {strides = array<i32>} : memref<8704xf32, #tpu.memory_space<vmem>>, vector<16xf32>,
      tpu.vector_store %arg10[%swap3A_178], %mul3A_175 {strides = array<i32>} : memref<8704xf32, #tpu.memory_space<vmem>>, vector<16xf32>,
      %add3A_180 = arith.constant 3 : i32
      %add3A_181 = arith.addi %mul3A_142, %add3A_180 : i32
      %get3A_182 = arith.index_cast %add3A_181 : i32 to index
      %get3A_183 = arith.constant 0 : index
      %get3A_184 = tpu.vector_load %arg8[%get3A_182, %get3A_183] {strides = array<i32>} : memref<512x16xf32, #tpu.memory_space<vmem>>, vector<16xf32>,
      %get3A_185 = arith.index_cast %add3A_181 : i32 to index
      %get3A_186 = arith.constant 0 : index
      %get3A_187 = tpu.vector_load %arg9[%get3A_185, %get3A_186] {strides = array<i32>} : memref<512x16xf32, #tpu.memory_space<vmem>>, vector<16xf32>,
      %mul3A_188 = arith.mulf %get3A_184, %get3A_187 : vector<16xf32>
      %mul3A_189 = arith.constant 17 : i32
      %mul3A_190 = arith.muli %add3A_181, %mul3A_189 : i32
      %swap3A_191 = arith.index_cast %mul3A_190 : i32 to index
      %swap3A_192 = tpu.vector_load %arg10[%swap3A_191] {strides = array<i32>} : memref<8704xf32, #tpu.memory_space<vmem>>, vector<16xf32>,
      tpu.vector_store %arg10[%swap3A_191], %mul3A_188 {strides = array<i32>} : memref<8704xf32, #tpu.memory_space<vmem>>, vector<16xf32>,
      %add3A_193 = arith.constant 4 : i32
      %add3A_194 = arith.addi %mul3A_142, %add3A_193 : i32
      %get3A_195 = arith.index_cast %add3A_194 : i32 to index
      %get3A_196 = arith.constant 0 : index
      %get3A_197 = tpu.vector_load %arg8[%get3A_195, %get3A_196] {strides = array<i32>} : memref<512x16xf32, #tpu.memory_space<vmem>>, vector<16xf32>,
      %get3A_198 = arith.index_cast %add3A_194 : i32 to index
      %get3A_199 = arith.constant 0 : index
      %get3A_200 = tpu.vector_load %arg9[%get3A_198, %get3A_199] {strides = array<i32>} : memref<512x16xf32, #tpu.memory_space<vmem>>, vector<16xf32>,
      %mul3A_201 = arith.mulf %get3A_197, %get3A_200 : vector<16xf32>
      %mul3A_202 = arith.constant 17 : i32
      %mul3A_203 = arith.muli %add3A_194, %mul3A_202 : i32
      %swap3A_204 = arith.index_cast %mul3A_203 : i32 to index
      %swap3A_205 = tpu.vector_load %arg10[%swap3A_204] {strides = array<i32>} : memref<8704xf32, #tpu.memory_space<vmem>>, vector<16xf32>,
      tpu.vector_store %arg10[%swap3A_204], %mul3A_201 {strides = array<i32>} : memref<8704xf32, #tpu.memory_space<vmem>>, vector<16xf32>,
      %add3A_206 = arith.constant 5 : i32
      %add3A_207 = arith.addi %mul3A_142, %add3A_206 : i32
      %get3A_208 = arith.index_cast %add3A_207 : i32 to index
      %get3A_209 = arith.constant 0 : index
      %get3A_210 = tpu.vector_load %arg8[%get3A_208, %get3A_209] {strides = array<i32>} : memref<512x16xf32, #tpu.memory_space<vmem>>, vector<16xf32>,
      %get3A_211 = arith.index_cast %add3A_207 : i32 to index
      %get3A_212 = arith.constant 0 : index
      %get3A_213 = tpu.vector_load %arg9[%get3A_211, %get3A_212] {strides = array<i32>} : memref<512x16xf32, #tpu.memory_space<vmem>>, vector<16xf32>,
      %mul3A_214 = arith.mulf %get3A_210, %get3A_213 : vector<16xf32>
      %mul3A_215 = arith.constant 17 : i32
      %mul3A_216 = arith.muli %add3A_207, %mul3A_215 : i32
      %swap3A_217 = arith.index_cast %mul3A_216 : i32 to index
      %swap3A_218 = tpu.vector_load %arg10[%swap3A_217] {strides = array<i32>} : memref<8704xf32, #tpu.memory_space<vmem>>, vector<16xf32>,
      tpu.vector_store %arg10[%swap3A_217], %mul3A_214 {strides = array<i32>} : memref<8704xf32, #tpu.memory_space<vmem>>, vector<16xf32>,
      %add3A_219 = arith.constant 6 : i32
      %add3A_220 = arith.addi %mul3A_142, %add3A_219 : i32
      %get3A_221 = arith.index_cast %add3A_220 : i32 to index
      %get3A_222 = arith.constant 0 : index
      %get3A_223 = tpu.vector_load %arg8[%get3A_221, %get3A_222] {strides = array<i32>} : memref<512x16xf32, #tpu.memory_space<vmem>>, vector<16xf32>,
      %get3A_224 = arith.index_cast %add3A_220 : i32 to index
      %get3A_225 = arith.constant 0 : index
      %get3A_226 = tpu.vector_load %arg9[%get3A_224, %get3A_225] {strides = array<i32>} : memref<512x16xf32, #tpu.memory_space<vmem>>, vector<16xf32>,
      %mul3A_227 = arith.mulf %get3A_223, %get3A_226 : vector<16xf32>
      %mul3A_228 = arith.constant 17 : i32
      %mul3A_229 = arith.muli %add3A_220, %mul3A_228 : i32
      %swap3A_230 = arith.index_cast %mul3A_229 : i32 to index
      %swap3A_231 = tpu.vector_load %arg10[%swap3A_230] {strides = array<i32>} : memref<8704xf32, #tpu.memory_space<vmem>>, vector<16xf32>,
      tpu.vector_store %arg10[%swap3A_230], %mul3A_227 {strides = array<i32>} : memref<8704xf32, #tpu.memory_space<vmem>>, vector<16xf32>,
      %add3A_232 = arith.constant 7 : i32
      %add3A_233 = arith.addi %mul3A_142, %add3A_232 : i32
      %get3A_234 = arith.index_cast %add3A_233 : i32 to index
      %get3A_235 = arith.constant 0 : index
      %get3A_236 = tpu.vector_load %arg8[%get3A_234, %get3A_235] {strides = array<i32>} : memref<512x16xf32, #tpu.memory_space<vmem>>, vector<16xf32>,
      %get3A_237 = arith.index_cast %add3A_233 : i32 to index
      %get3A_238 = arith.constant 0 : index
      %get3A_239 = tpu.vector_load %arg9[%get3A_237, %get3A_238] {strides = array<i32>} : memref<512x16xf32, #tpu.memory_space<vmem>>, vector<16xf32>,
      %mul3A_240 = arith.mulf %get3A_236, %get3A_239 : vector<16xf32>
      %mul3A_241 = arith.constant 17 : i32
      %mul3A_242 = arith.muli %add3A_233, %mul3A_241 : i32
      %swap3A_243 = arith.index_cast %mul3A_242 : i32 to index
      %swap3A_244 = tpu.vector_load %arg10[%swap3A_243] {strides = array<i32>} : memref<8704xf32, #tpu.memory_space<vmem>>, vector<16xf32>,
      tpu.vector_store %arg10[%swap3A_243], %mul3A_240 {strides = array<i32>} : memref<8704xf32, #tpu.memory_space<vmem>>, vector<16xf32>,
      %add3A_245 = arith.constant 8 : i32
      %add3A_246 = arith.addi %mul3A_142, %add3A_245 : i32
      %get3A_247 = arith.index_cast %add3A_246 : i32 to index
      %get3A_248 = arith.constant 0 : index
      %get3A_249 = tpu.vector_load %arg8[%get3A_247, %get3A_248] {strides = array<i32>} : memref<512x16xf32, #tpu.memory_space<vmem>>, vector<16xf32>,
      %get3A_250 = arith.index_cast %add3A_246 : i32 to index
      %get3A_251 = arith.constant 0 : index
      %get3A_252 = tpu.vector_load %arg9[%get3A_250, %get3A_251] {strides = array<i32>} : memref<512x16xf32, #tpu.memory_space<vmem>>, vector<16xf32>,
      %mul3A_253 = arith.mulf %get3A_249, %get3A_252 : vector<16xf32>
      %mul3A_254 = arith.constant 17 : i32
      %mul3A_255 = arith.muli %add3A_246, %mul3A_254 : i32
      %swap3A_256 = arith.index_cast %mul3A_255 : i32 to index
      %swap3A_257 = tpu.vector_load %arg10[%swap3A_256] {strides = array<i32>} : memref<8704xf32, #tpu.memory_space<vmem>>, vector<16xf32>,
      tpu.vector_store %arg10[%swap3A_256], %mul3A_253 {strides = array<i32>} : memref<8704xf32, #tpu.memory_space<vmem>>, vector<16xf32>,
      %add3A_258 = arith.constant 9 : i32
      %add3A_259 = arith.addi %mul3A_142, %add3A_258 : i32
      %get3A_260 = arith.index_cast %add3A_259 : i32 to index
      %get3A_261 = arith.constant 0 : index
      %get3A_262 = tpu.vector_load %arg8[%get3A_260, %get3A_261] {strides = array<i32>} : memref<512x16xf32, #tpu.memory_space<vmem>>, vector<16xf32>,
      %get3A_263 = arith.index_cast %add3A_259 : i32 to index
      %get3A_264 = arith.constant 0 : index
      %get3A_265 = tpu.vector_load %arg9[%get3A_263, %get3A_264] {strides = array<i32>} : memref<512x16xf32, #tpu.memory_space<vmem>>, vector<16xf32>,
      %mul3A_266 = arith.mulf %get3A_262, %get3A_265 : vector<16xf32>
      %mul3A_267 = arith.constant 17 : i32
      %mul3A_268 = arith.muli %add3A_259, %mul3A_267 : i32
      %swap3A_269 = arith.index_cast %mul3A_268 : i32 to index
      %swap3A_270 = tpu.vector_load %arg10[%swap3A_269] {strides = array<i32>} : memref<8704xf32, #tpu.memory_space<vmem>>, vector<16xf32>,
      tpu.vector_store %arg10[%swap3A_269], %mul3A_266 {strides = array<i32>} : memref<8704xf32, #tpu.memory_space<vmem>>, vector<16xf32>,
      %add3A_271 = arith.constant 10 : i32
      %add3A_272 = arith.addi %mul3A_142, %add3A_271 : i32
      %get3A_273 = arith.index_cast %add3A_272 : i32 to index
      %get3A_274 = arith.constant 0 : index
      %get3A_275 = tpu.vector_load %arg8[%get3A_273, %get3A_274] {strides = array<i32>} : memref<512x16xf32, #tpu.memory_space<vmem>>, vector<16xf32>,
      %get3A_276 = arith.index_cast %add3A_272 : i32 to index
      %get3A_277 = arith.constant 0 : index
      %get3A_278 = tpu.vector_load %arg9[%get3A_276, %get3A_277] {strides = array<i32>} : memref<512x16xf32, #tpu.memory_space<vmem>>, vector<16xf32>,
      %mul3A_279 = arith.mulf %get3A_275, %get3A_278 : vector<16xf32>
      %mul3A_280 = arith.constant 17 : i32
      %mul3A_281 = arith.muli %add3A_272, %mul3A_280 : i32
      %swap3A_282 = arith.index_cast %mul3A_281 : i32 to index
      %swap3A_283 = tpu.vector_load %arg10[%swap3A_282] {strides = array<i32>} : memref<8704xf32, #tpu.memory_space<vmem>>, vector<16xf32>,
      tpu.vector_store %arg10[%swap3A_282], %mul3A_279 {strides = array<i32>} : memref<8704xf32, #tpu.memory_space<vmem>>, vector<16xf32>,
      %add3A_284 = arith.constant 11 : i32
      %add3A_285 = arith.addi %mul3A_142, %add3A_284 : i32
      %get3A_286 = arith.index_cast %add3A_285 : i32 to index
      %get3A_287 = arith.constant 0 : index
      %get3A_288 = tpu.vector_load %arg8[%get3A_286, %get3A_287] {strides = array<i32>} : memref<512x16xf32, #tpu.memory_space<vmem>>, vector<16xf32>,
      %get3A_289 = arith.index_cast %add3A_285 : i32 to index
      %get3A_290 = arith.constant 0 : index
      %get3A_291 = tpu.vector_load %arg9[%get3A_289, %get3A_290] {strides = array<i32>} : memref<512x16xf32, #tpu.memory_space<vmem>>, vector<16xf32>,
      %mul3A_292 = arith.mulf %get3A_288, %get3A_291 : vector<16xf32>
      %mul3A_293 = arith.constant 17 : i32
      %mul3A_294 = arith.muli %add3A_285, %mul3A_293 : i32
      %swap3A_295 = arith.index_cast %mul3A_294 : i32 to index
      %swap3A_296 = tpu.vector_load %arg10[%swap3A_295] {strides = array<i32>} : memref<8704xf32, #tpu.memory_space<vmem>>, vector<16xf32>,
      tpu.vector_store %arg10[%swap3A_295], %mul3A_292 {strides = array<i32>} : memref<8704xf32, #tpu.memory_space<vmem>>, vector<16xf32>,
      %add3A_297 = arith.constant 12 : i32
      %add3A_298 = arith.addi %mul3A_142, %add3A_297 : i32
      %get3A_299 = arith.index_cast %add3A_298 : i32 to index
      %get3A_300 = arith.constant 0 : index
      %get3A_301 = tpu.vector_load %arg8[%get3A_299, %get3A_300] {strides = array<i32>} : memref<512x16xf32, #tpu.memory_space<vmem>>, vector<16xf32>,
      %get3A_302 = arith.index_cast %add3A_298 : i32 to index
      %get3A_303 = arith.constant 0 : index
      %get3A_304 = tpu.vector_load %arg9[%get3A_302, %get3A_303] {strides = array<i32>} : memref<512x16xf32, #tpu.memory_space<vmem>>, vector<16xf32>,
      %mul3A_305 = arith.mulf %get3A_301, %get3A_304 : vector<16xf32>
      %mul3A_306 = arith.constant 17 : i32
      %mul3A_307 = arith.muli %add3A_298, %mul3A_306 : i32
      %swap3A_308 = arith.index_cast %mul3A_307 : i32 to index
      %swap3A_309 = tpu.vector_load %arg10[%swap3A_308] {strides = array<i32>} : memref<8704xf32, #tpu.memory_space<vmem>>, vector<16xf32>,
      tpu.vector_store %arg10[%swap3A_308], %mul3A_305 {strides = array<i32>} : memref<8704xf32, #tpu.memory_space<vmem>>, vector<16xf32>,
      %add3A_310 = arith.constant 13 : i32
      %add3A_311 = arith.addi %mul3A_142, %add3A_310 : i32
      %get3A_312 = arith.index_cast %add3A_311 : i32 to index
      %get3A_313 = arith.constant 0 : index
      %get3A_314 = tpu.vector_load %arg8[%get3A_312, %get3A_313] {strides = array<i32>} : memref<512x16xf32, #tpu.memory_space<vmem>>, vector<16xf32>,
      %get3A_315 = arith.index_cast %add3A_311 : i32 to index
      %get3A_316 = arith.constant 0 : index
      %get3A_317 = tpu.vector_load %arg9[%get3A_315, %get3A_316] {strides = array<i32>} : memref<512x16xf32, #tpu.memory_space<vmem>>, vector<16xf32>,
      %mul3A_318 = arith.mulf %get3A_314, %get3A_317 : vector<16xf32>
      %mul3A_319 = arith.constant 17 : i32
      %mul3A_320 = arith.muli %add3A_311, %mul3A_319 : i32
      %swap3A_321 = arith.index_cast %mul3A_320 : i32 to index
      %swap3A_322 = tpu.vector_load %arg10[%swap3A_321] {strides = array<i32>} : memref<8704xf32, #tpu.memory_space<vmem>>, vector<16xf32>,
      tpu.vector_store %arg10[%swap3A_321], %mul3A_318 {strides = array<i32>} : memref<8704xf32, #tpu.memory_space<vmem>>, vector<16xf32>,
      %add3A_323 = arith.constant 14 : i32
      %add3A_324 = arith.addi %mul3A_142, %add3A_323 : i32
      %get3A_325 = arith.index_cast %add3A_324 : i32 to index
      %get3A_326 = arith.constant 0 : index
      %get3A_327 = tpu.vector_load %arg8[%get3A_325, %get3A_326] {strides = array<i32>} : memref<512x16xf32, #tpu.memory_space<vmem>>, vector<16xf32>,
      %get3A_328 = arith.index_cast %add3A_324 : i32 to index
      %get3A_329 = arith.constant 0 : index
      %get3A_330 = tpu.vector_load %arg9[%get3A_328, %get3A_329] {strides = array<i32>} : memref<512x16xf32, #tpu.memory_space<vmem>>, vector<16xf32>,
      %mul3A_331 = arith.mulf %get3A_327, %get3A_330 : vector<16xf32>
      %mul3A_332 = arith.constant 17 : i32
      %mul3A_333 = arith.muli %add3A_324, %mul3A_332 : i32
      %swap3A_334 = arith.index_cast %mul3A_333 : i32 to index
      %swap3A_335 = tpu.vector_load %arg10[%swap3A_334] {strides = array<i32>} : memref<8704xf32, #tpu.memory_space<vmem>>, vector<16xf32>,
      tpu.vector_store %arg10[%swap3A_334], %mul3A_331 {strides = array<i32>} : memref<8704xf32, #tpu.memory_space<vmem>>, vector<16xf32>,
      %add3A_336 = arith.constant 15 : i32
      %add3A_337 = arith.addi %mul3A_142, %add3A_336 : i32
      %get3A_338 = arith.index_cast %add3A_337 : i32 to index
      %get3A_339 = arith.constant 0 : index
      %get3A_340 = tpu.vector_load %arg8[%get3A_338, %get3A_339] {strides = array<i32>} : memref<512x16xf32, #tpu.memory_space<vmem>>, vector<16xf32>,
      %get3A_341 = arith.index_cast %add3A_337 : i32 to index
      %get3A_342 = arith.constant 0 : index
      %get3A_343 = tpu.vector_load %arg9[%get3A_341, %get3A_342] {strides = array<i32>} : memref<512x16xf32, #tpu.memory_space<vmem>>, vector<16xf32>,
      %mul3A_344 = arith.mulf %get3A_340, %get3A_343 : vector<16xf32>
      %mul3A_345 = arith.constant 17 : i32
      %mul3A_346 = arith.muli %add3A_337, %mul3A_345 : i32
      %swap3A_347 = arith.index_cast %mul3A_346 : i32 to index
      %swap3A_348 = tpu.vector_load %arg10[%swap3A_347] {strides = array<i32>} : memref<8704xf32, #tpu.memory_space<vmem>>, vector<16xf32>,
      tpu.vector_store %arg10[%swap3A_347], %mul3A_344 {strides = array<i32>} : memref<8704xf32, #tpu.memory_space<vmem>>, vector<16xf32>,
      %broadcast_in_dim3A = arith.constant 0.000000e+00 : f32
      %broadcast_in_dim3A_349 = vector.broadcast %broadcast_in_dim3A : f32 to vector<16xf32>
      %add3A_350 = vector.broadcast %mul3A_142 : i32 to vector<16xi32>
      %add3A_351 = arith.addi %add3A_350, %iota3A : vector<16xi32>
      %mul3A_352 = arith.constant 17 : i32
      %mul3A_353 = vector.broadcast %mul3A_352 : i32 to vector<16xi32>
      %mul3A_354 = arith.muli %add3A_351, %mul3A_353 : vector<16xi32>
      %add3A_355 = arith.constant 0 : i32
      %add3A_356 = vector.broadcast %add3A_355 : i32 to vector<16xi32>
      %add3A_357 = arith.addi %mul3A_354, %add3A_356 : vector<16xi32>
      %gather3A = tpu.vector_load_idx %arg10[%add3A_357] : memref<8704xf32, #tpu.memory_space<vmem>>[vector<16xi32>], vector<16xf32>,
      %add3A_358 = arith.addf %broadcast_in_dim3A_349, %gather3A : vector<16xf32>
      %add3A_359 = arith.constant 1 : i32
      %add3A_360 = vector.broadcast %add3A_359 : i32 to vector<16xi32>
      %add3A_361 = arith.addi %mul3A_354, %add3A_360 : vector<16xi32>
      %gather3A_362 = tpu.vector_load_idx %arg10[%add3A_361] : memref<8704xf32, #tpu.memory_space<vmem>>[vector<16xi32>], vector<16xf32>,
      %add3A_363 = arith.addf %add3A_358, %gather3A_362 : vector<16xf32>
      %add3A_364 = arith.constant 2 : i32
      %add3A_365 = vector.broadcast %add3A_364 : i32 to vector<16xi32>
      %add3A_366 = arith.addi %mul3A_354, %add3A_365 : vector<16xi32>
      %gather3A_367 = tpu.vector_load_idx %arg10[%add3A_366] : memref<8704xf32, #tpu.memory_space<vmem>>[vector<16xi32>], vector<16xf32>,
      %add3A_368 = arith.addf %add3A_363, %gather3A_367 : vector<16xf32>
      %add3A_369 = arith.constant 3 : i32
      %add3A_370 = vector.broadcast %add3A_369 : i32 to vector<16xi32>
      %add3A_371 = arith.addi %mul3A_354, %add3A_370 : vector<16xi32>
      %gather3A_372 = tpu.vector_load_idx %arg10[%add3A_371] : memref<8704xf32, #tpu.memory_space<vmem>>[vector<16xi32>], vector<16xf32>,
      %add3A_373 = arith.addf %add3A_368, %gather3A_372 : vector<16xf32>
      %add3A_374 = arith.constant 4 : i32
      %add3A_375 = vector.broadcast %add3A_374 : i32 to vector<16xi32>
      %add3A_376 = arith.addi %mul3A_354, %add3A_375 : vector<16xi32>
      %gather3A_377 = tpu.vector_load_idx %arg10[%add3A_376] : memref<8704xf32, #tpu.memory_space<vmem>>[vector<16xi32>], vector<16xf32>,
      %add3A_378 = arith.addf %add3A_373, %gather3A_377 : vector<16xf32>
      %add3A_379 = arith.constant 5 : i32
      %add3A_380 = vector.broadcast %add3A_379 : i32 to vector<16xi32>
      %add3A_381 = arith.addi %mul3A_354, %add3A_380 : vector<16xi32>
      %gather3A_382 = tpu.vector_load_idx %arg10[%add3A_381] : memref<8704xf32, #tpu.memory_space<vmem>>[vector<16xi32>], vector<16xf32>,
      %add3A_383 = arith.addf %add3A_378, %gather3A_382 : vector<16xf32>
      %add3A_384 = arith.constant 6 : i32
      %add3A_385 = vector.broadcast %add3A_384 : i32 to vector<16xi32>
      %add3A_386 = arith.addi %mul3A_354, %add3A_385 : vector<16xi32>
      %gather3A_387 = tpu.vector_load_idx %arg10[%add3A_386] : memref<8704xf32, #tpu.memory_space<vmem>>[vector<16xi32>], vector<16xf32>,
      %add3A_388 = arith.addf %add3A_383, %gather3A_387 : vector<16xf32>
      %add3A_389 = arith.constant 7 : i32
      %add3A_390 = vector.broadcast %add3A_389 : i32 to vector<16xi32>
      %add3A_391 = arith.addi %mul3A_354, %add3A_390 : vector<16xi32>
      %gather3A_392 = tpu.vector_load_idx %arg10[%add3A_391] : memref<8704xf32, #tpu.memory_space<vmem>>[vector<16xi32>], vector<16xf32>,
      %add3A_393 = arith.addf %add3A_388, %gather3A_392 : vector<16xf32>
      %add3A_394 = arith.constant 8 : i32
      %add3A_395 = vector.broadcast %add3A_394 : i32 to vector<16xi32>
      %add3A_396 = arith.addi %mul3A_354, %add3A_395 : vector<16xi32>
      %gather3A_397 = tpu.vector_load_idx %arg10[%add3A_396] : memref<8704xf32, #tpu.memory_space<vmem>>[vector<16xi32>], vector<16xf32>,
      %add3A_398 = arith.addf %add3A_393, %gather3A_397 : vector<16xf32>
      %add3A_399 = arith.constant 9 : i32
      %add3A_400 = vector.broadcast %add3A_399 : i32 to vector<16xi32>
      %add3A_401 = arith.addi %mul3A_354, %add3A_400 : vector<16xi32>
      %gather3A_402 = tpu.vector_load_idx %arg10[%add3A_401] : memref<8704xf32, #tpu.memory_space<vmem>>[vector<16xi32>], vector<16xf32>,
      %add3A_403 = arith.addf %add3A_398, %gather3A_402 : vector<16xf32>
      %add3A_404 = arith.constant 10 : i32
      %add3A_405 = vector.broadcast %add3A_404 : i32 to vector<16xi32>
      %add3A_406 = arith.addi %mul3A_354, %add3A_405 : vector<16xi32>
      %gather3A_407 = tpu.vector_load_idx %arg10[%add3A_406] : memref<8704xf32, #tpu.memory_space<vmem>>[vector<16xi32>], vector<16xf32>,
      %add3A_408 = arith.addf %add3A_403, %gather3A_407 : vector<16xf32>
      %add3A_409 = arith.constant 11 : i32
      %add3A_410 = vector.broadcast %add3A_409 : i32 to vector<16xi32>
      %add3A_411 = arith.addi %mul3A_354, %add3A_410 : vector<16xi32>
      %gather3A_412 = tpu.vector_load_idx %arg10[%add3A_411] : memref<8704xf32, #tpu.memory_space<vmem>>[vector<16xi32>], vector<16xf32>,
      %add3A_413 = arith.addf %add3A_408, %gather3A_412 : vector<16xf32>
      %add3A_414 = arith.constant 12 : i32
      %add3A_415 = vector.broadcast %add3A_414 : i32 to vector<16xi32>
      %add3A_416 = arith.addi %mul3A_354, %add3A_415 : vector<16xi32>
      %gather3A_417 = tpu.vector_load_idx %arg10[%add3A_416] : memref<8704xf32, #tpu.memory_space<vmem>>[vector<16xi32>], vector<16xf32>,
      %add3A_418 = arith.addf %add3A_413, %gather3A_417 : vector<16xf32>
      %add3A_419 = arith.constant 13 : i32
      %add3A_420 = vector.broadcast %add3A_419 : i32 to vector<16xi32>
      %add3A_421 = arith.addi %mul3A_354, %add3A_420 : vector<16xi32>
      %gather3A_422 = tpu.vector_load_idx %arg10[%add3A_421] : memref<8704xf32, #tpu.memory_space<vmem>>[vector<16xi32>], vector<16xf32>,
      %add3A_423 = arith.addf %add3A_418, %gather3A_422 : vector<16xf32>
      %add3A_424 = arith.constant 14 : i32
      %add3A_425 = vector.broadcast %add3A_424 : i32 to vector<16xi32>
      %add3A_426 = arith.addi %mul3A_354, %add3A_425 : vector<16xi32>
      %gather3A_427 = tpu.vector_load_idx %arg10[%add3A_426] : memref<8704xf32, #tpu.memory_space<vmem>>[vector<16xi32>], vector<16xf32>,
      %add3A_428 = arith.addf %add3A_423, %gather3A_427 : vector<16xf32>
      %add3A_429 = arith.constant 15 : i32
      %add3A_430 = vector.broadcast %add3A_429 : i32 to vector<16xi32>
      %add3A_431 = arith.addi %mul3A_354, %add3A_430 : vector<16xi32>
      %gather3A_432 = tpu.vector_load_idx %arg10[%add3A_431] : memref<8704xf32, #tpu.memory_space<vmem>>[vector<16xi32>], vector<16xf32>,
      %add3A_433 = arith.addf %add3A_428, %gather3A_432 : vector<16xf32>
      %swap3A_434 = arith.index_cast %mul3A_142 : i32 to index
      %swap3A_435 = tpu.vector_load %arg11[%swap3A_434] {strides = array<i32>} : memref<512xf32, #tpu.memory_space<vmem>>, vector<16xf32>,
      tpu.vector_store %arg11[%swap3A_434], %add3A_433 {strides = array<i32>} : memref<512xf32, #tpu.memory_space<vmem>>, vector<16xf32>,
    }
    %scan3A_139 = arith.constant 32 : i32
    "tpu.region"() ({
      %run_scoped3A = tpu.sem_alloc : memref<!tpu.dma_semaphore, #tpu.memory_space<semaphore_mem>>
      %dma_start3A_140 = tpu.memref_slice %arg5[%mul3A_2] : memref<16384xf32, #tpu.memory_space<hbm>> -> memref<512xf32, #tpu.memory_space<hbm>>
      %dma_start3A_141 = tpu.memref_slice %arg5[%mul3A_2] : memref<16384xf32, #tpu.memory_space<hbm>> -> memref<512xf32, #tpu.memory_space<hbm>>
      tpu.enqueue_dma source(%arg11 : memref<512xf32, #tpu.memory_space<vmem>>) target(%dma_start3A_141 : memref<512xf32, #tpu.memory_space<hbm>>) target_semaphore(%run_scoped3A : memref<!tpu.dma_semaphore, #tpu.memory_space<semaphore_mem>>)
      %dma_wait3A_142 = tpu.memref_slice %arg5[%mul3A_2] : memref<16384xf32, #tpu.memory_space<hbm>> -> memref<512xf32, #tpu.memory_space<hbm>>
      %dma_wait3A_143 = tpu.memref_slice %arg5[%mul3A_2] : memref<16384xf32, #tpu.memory_space<hbm>> -> memref<512xf32, #tpu.memory_space<hbm>>
      tpu.wait_dma2 semaphore(%run_scoped3A : memref<!tpu.dma_semaphore, #tpu.memory_space<semaphore_mem>>) src(%arg11 : memref<512xf32, #tpu.memory_space<vmem>>) dst(%dma_wait3A_143 : memref<512xf32, #tpu.memory_space<hbm>>)
      tpu.yield
    }) : () -> ()
    return
  }
}

module attributes {stable_mosaic.version = 14 : i64} {
  func.func @_tc_pack_body(%arg0: i32, %arg1: memref<16x32768xf32, #tpu.memory_space<vmem>>, %arg2: memref<4096x128xf32, #tpu.memory_space<vmem>>) attributes {dimension_semantics = [#tpu.dimension_semantics<arbitrary>], iteration_bounds = array<i64: 31>, scalar_prefetch = 0 : i64, scratch_operands = 0 : i64, tpu.core_type = #tpu.core_type<tc>, window_params = [{transform_indices = @transform_0, window_bounds = array<i64: 16, 32768>}, {transform_indices = @transform_1, window_bounds = array<i64: 4096, 128>}]} {
    %get3A = arith.constant 0 : index
    %get3A_0 = arith.constant 0 : index
    %get3A_1 = vector.load %arg1[%get3A, %get3A_0] : memref<16x32768xf32, #tpu.memory_space<vmem>>, vector<16x32768xf32>
    %slice3A = vector.extract_strided_slice %get3A_1 {offsets = [0, 0], sizes = [16, 4096], strides = [1, 1]} : vector<16x32768xf32> to vector<16x4096xf32>
    %slice3A_2 = vector.extract_strided_slice %get3A_1 {offsets = [0, 4096], sizes = [16, 4096], strides = [1, 1]} : vector<16x32768xf32> to vector<16x4096xf32>
    %slice3A_3 = vector.extract_strided_slice %get3A_1 {offsets = [0, 8192], sizes = [16, 4096], strides = [1, 1]} : vector<16x32768xf32> to vector<16x4096xf32>
    %slice3A_4 = vector.extract_strided_slice %get3A_1 {offsets = [0, 12288], sizes = [16, 4096], strides = [1, 1]} : vector<16x32768xf32> to vector<16x4096xf32>
    %slice3A_5 = vector.extract_strided_slice %get3A_1 {offsets = [0, 16384], sizes = [16, 4096], strides = [1, 1]} : vector<16x32768xf32> to vector<16x4096xf32>
    %slice3A_6 = vector.extract_strided_slice %get3A_1 {offsets = [0, 20480], sizes = [16, 4096], strides = [1, 1]} : vector<16x32768xf32> to vector<16x4096xf32>
    %slice3A_7 = vector.extract_strided_slice %get3A_1 {offsets = [0, 24576], sizes = [16, 4096], strides = [1, 1]} : vector<16x32768xf32> to vector<16x4096xf32>
    %slice3A_8 = vector.extract_strided_slice %get3A_1 {offsets = [0, 28672], sizes = [16, 4096], strides = [1, 1]} : vector<16x32768xf32> to vector<16x4096xf32>
    %concatenate3A = tpu.concatenate %slice3A, %slice3A_2, %slice3A_3, %slice3A_4, %slice3A_5, %slice3A_6, %slice3A_7, %slice3A_8 in 0 : vector<16x4096xf32>, vector<16x4096xf32>, vector<16x4096xf32>, vector<16x4096xf32>, vector<16x4096xf32>, vector<16x4096xf32>, vector<16x4096xf32>, vector<16x4096xf32> -> vector<128x4096xf32>
    %transpose3A = tpu.transpose %concatenate3A, [1, 0] : vector<128x4096xf32> -> vector<4096x128xf32>
    %swap3A = arith.constant 0 : index
    %swap3A_9 = arith.constant 0 : index
    %swap3A_10 = vector.load %arg2[%swap3A, %swap3A_9] : memref<4096x128xf32, #tpu.memory_space<vmem>>, vector<4096x128xf32>
    tpu.vector_store %arg2[%swap3A, %swap3A_9], %transpose3A {strides = array<i32>} : memref<4096x128xf32, #tpu.memory_space<vmem>>, vector<4096x128xf32>,
    return
  }
  func.func @transform_0(%arg0: i32) -> (i32, i32) {
    %c0_i32 = arith.constant 0 : i32
    %c0_i32_0 = arith.constant 0 : i32
    return %c0_i32, %arg0 : i32, i32
  }
  func.func @transform_1(%arg0: i32) -> (i32, i32) {
    %c0_i32 = arith.constant 0 : i32
    %c0_i32_0 = arith.constant 0 : i32
    return %arg0, %c0_i32 : i32, i32
  }
}

</mosaic_0001>

<sc_bundles>
// kernel: kernel.4.cloned.1.call-start
scs
__scs_entry_jumppad:
0x0: {  	(pc) =	sbr.rel $0x88, $3  }
0x1: {  	(tag) =	ssettag $0x0;
	lr =	simm.s32 $0x1  }
0x2: {  	[smem:$0x3F9E] =	sst lr;
	_ =	strace $0xD0000000  }
0x3: {  	_ = 	snop  }
0x4: {  	_ = 	snop  }
0x5: {  	_ = 	snop  }
0x6: {  	_ = 	snop  }
0x7: {  	_ = 	snop  }
__scs_overlays_trampoline_lowered:
0x8: {  	[smem:$0x3FAD] =	sst s0  }
0x9: {  	[smem:$0x3FAE] =	sst s1  }
0xa: {  	[smem:$0x3FAF] =	sst s2  }
0xb: {  	[smem:$0x3FB0] =	sst s3  }
0xc: {  	[smem:$0x3FB1] =	sst s4  }
0xd: {  	[smem:$0x3FB2] =	sst s5  }
0xe: {  	[smem:$0x3FB3] =	sst s6  }
0xf: {  	[smem:$0x3FB4] =	sst s7  }
0x10: {  	[smem:$0x3FB5] =	sst s8  }
0x11: {  	[smem:$0x3FB6] =	sst s9;
	s0 =	simm.s32 @!p0 $0x0  }
0x12: {  	s1 =	sld [smem:$0x3F9C];
	s0 =	simm.s32 @p0 $0x1  }
0x13: {  	[smem:$0x3FB7] =	sst s0;
	s0 =	simm.s32 @!p1 $0x0  }
0x14: {  	s2 =	sld [smem:$0x3F9B];
	s0 =	simm.s32 @p1 $0x1  }
0x15: {  	[smem:$0x3FB8] =	sst s0;
	s0 =	simm.s32 @!p2 $0x0  }
0x16: {  	s3 =	sld [smem:$0x3FDB];
	s0 =	simm.s32 @p2 $0x1  }
0x17: {  	s4 =	simm.s32 $0x1BF5;
	[smem:$0x3FBA] =	sst s0  }
0x18: {  	s0 =	sld [smem:$0x3F9D];
	_ =	swait.ge [sflag:s4], $0x0  }
0x19: {  	s7 =	sld [smem:$0x3F9E]  }
0x1a: {  	s8 =	sadd.s32 $0xFFFFE003, lr  }
0x1b: {  	s9 =	sadd.s32 $0xFFFFFEF7, lr;
	s5 =	simm.s32 $0xFFFFFFFF;
	p2 =	slt.u32 s8, $0xFFFFF086  }
0x1c: {  	p1 =	slt.u32 s9, $0xF7A;
	s5 =	simm.s32 @!p2 $0x0  }
0x1d: {  	s5 =	simm.s32 @p1 $0x1;
	p0 =	seq.s32 s7, s2  }
0x1e: {  	s7 =	smul.u32 @!p0 $0xF7A, s2;
	p2 =	seq.s32 @!p0 s5, $0x0  }
0x1f: {  	s9 =	smul.u32 $0xF7A, s1;
	s8 =	simm.s32 @!p0 $0x1BF5;
	p2 =	por !p2, p0  }
0x20: {  	[sflag:s8] =	ssyncset.s32 @!p0 $0xFFFFF086;
	s6 =	sadd.s32 @!p0 s3, s7;
	s7 =	simm.s32 @!p0 $0x108  }
0x21: {  	s3 =	sadd.s32 s3, s9;
	s6 =	sadd.s32 @!p0 $0x88, s6;
	s7 =	simm.s32 @p2 $0x1082  }
0x22: {  	[simem:s7], [sflag:s8] =	dma.local @!p0 [hbm:s6], $0xF7A  }
0x23: {  	s9 =	sor.u32 $0xD0000000, s2;
	s6 =	simm.s32 $0x108;
	_ =	swait.ge @!p0 [sflag:s8], $0x0  }
0x24: {  	s3 =	sadd.s32 $0x88, s3;
	s6 =	simm.s32 @!p1 $0x1082;
	[sflag:s4] =	ssyncset.s32 $0xFFFFF086  }
0x25: {  	[simem:s6], [sflag:s4] =	dma.local [hbm:s3], $0xF7A  }
0x26: {  	[smem:$0x3F9E] =	sst s1;
	(tag) =	ssettag s2;
	_ =	strace s9  }
0x27: {  	s1 =	sld [smem:$0x3FAE]  }
0x28: {  	s2 =	sld [smem:$0x3FAF]  }
0x29: {  	s4 =	sld [smem:$0x3FB1]  }
0x2a: {  	p0 =	seq.s32 s5, $0x0;
	s5 =	sld [smem:$0x3FB2]  }
0x2b: {  	s6 =	sld [smem:$0x3FB3]  }
0x2c: {  	s7 =	sld [smem:$0x3FB4]  }
0x2d: {  	s3 =	simm.s32 $0x108;
	s8 =	sld [smem:$0x3FB5]  }
0x2e: {  	s3 =	simm.s32 @!p0 $0x1082;
	s9 =	sld [smem:$0x3FB6]  }
0x2f: {  	lr =	sadd.s32 s0, s3;
	s0 =	sld [smem:$0x3FAD]  }
0x30: {  	s3 =	sld [smem:$0x3FB0]  }
0x31: {  	[smem:$0x3FB9] =	sst s10  }
0x32: {  	s10 =	sld [smem:$0x3FB7];
	_ =	sdelay $0x3  }
0x33: {  	p0 =	seq.s32 s10, $0x1;
	s10 =	sld [smem:$0x3FB9];
	_ =	sdelay $0x3  }
0x34: {  	[smem:$0x3FB9] =	sst s10  }
0x35: {  	s10 =	sld [smem:$0x3FB8];
	_ =	sdelay $0x3  }
0x36: {  	p1 =	seq.s32 s10, $0x1;
	s10 =	sld [smem:$0x3FB9];
	_ =	sdelay $0x3  }
0x37: {  	[smem:$0x3FB9] =	sst s10  }
0x38: {  	s10 =	sld [smem:$0x3FBA]  }
0x39: {  	_ = 	snop;
	(pc) =	sbr.ind lr, $3  }
0x3a: {  	_ = 	snop  }
0x3b: {  	_ = 	snop  }
0x3c: {  	p2 =	seq.s32 s10, $0x1;
	s10 =	sld [smem:$0x3FB9]  }
0x3d: {  	_ =	shalt  }
0x3e: {  	_ =	shalt  }
0x3f: {  	_ =	shalt  }
0x40: {  	_ =	shalt  }
0x41: {  	_ =	shalt  }
0x42: {  	_ =	shalt  }
0x43: {  	_ =	shalt  }
0x44: {  	_ =	shalt  }
0x45: {  	_ =	shalt  }
0x46: {  	_ =	shalt  }
0x47: {  	_ =	shalt  }
0x48: {  	_ =	shalt  }
0x49: {  	_ =	shalt  }
0x4a: {  	_ =	shalt  }
0x4b: {  	_ =	shalt  }
0x4c: {  	_ =	shalt  }
0x4d: {  	_ =	shalt  }
0x4e: {  	_ =	shalt  }
0x4f: {  	_ =	shalt  }
0x50: {  	_ =	shalt  }
0x51: {  	_ =	shalt  }
0x52: {  	_ =	shalt  }
0x53: {  	_ =	shalt  }
0x54: {  	_ =	shalt  }
0x55: {  	_ =	shalt  }
0x56: {  	_ =	shalt  }
0x57: {  	_ =	shalt  }
0x58: {  	_ =	shalt  }
0x59: {  	_ =	shalt  }
0x5a: {  	_ =	shalt  }
0x5b: {  	_ =	shalt  }
0x5c: {  	_ =	shalt  }
0x5d: {  	_ =	shalt  }
0x5e: {  	_ =	shalt  }
0x5f: {  	_ =	shalt  }
0x60: {  	_ =	shalt  }
0x61: {  	_ =	shalt  }
0x62: {  	_ =	shalt  }
0x63: {  	_ =	shalt  }
0x64: {  	_ =	shalt  }
0x65: {  	_ =	shalt  }
0x66: {  	_ =	shalt  }
0x67: {  	_ =	shalt  }
0x68: {  	_ =	shalt  }
0x69: {  	_ =	shalt  }
0x6a: {  	_ =	shalt  }
0x6b: {  	_ =	shalt  }
0x6c: {  	_ =	shalt  }
0x6d: {  	_ =	shalt  }
0x6e: {  	_ =	shalt  }
0x6f: {  	_ =	shalt  }
0x70: {  	_ =	shalt  }
0x71: {  	_ =	shalt  }
0x72: {  	_ =	shalt  }
0x73: {  	_ =	shalt  }
0x74: {  	_ =	shalt  }
0x75: {  	_ =	shalt  }
0x76: {  	_ =	shalt  }
0x77: {  	_ =	shalt  }
0x78: {  	_ =	shalt  }
0x79: {  	_ =	shalt  }
0x7a: {  	_ =	shalt  }
0x7b: {  	_ =	shalt  }
0x7c: {  	_ =	shalt  }
0x7d: {  	_ =	shalt  }
0x7e: {  	_ =	shalt  }
0x7f: {  	_ =	shalt  }
0x80: {  	_ =	shalt  }
0x81: {  	_ =	shalt  }
0x82: {  	_ =	shalt  }
0x83: {  	_ =	shalt  }
0x84: {  	_ =	shalt  }
0x85: {  	_ =	shalt  }
0x86: {  	_ =	shalt  }
0x87: {  	_ =	shalt  }
.Lfunc_end0:
.L_simem_size_0:
called_computation_lowered:
.L_overlay_start_0:
0x88: {  	s2 =	sld [smem:$0x3FD9]  }
0x89: {  	s3 =	sld [smem:$0x3FFE];
	_ =	sdelay $0x1  }
0x8a: {  	s1 =	srdreg.scid  }
0x8b: {  	s0 =	sand.u32 $0x1, s1  }
0x8c: {  	s17 =	sshll.u32 s0, $0xA;
	s2 =	sadd.s32 s3, s2  }
0x8d: {  	s2 =	sadd.s32 s2, s17  }
0x8e: {  	[smem:$0x3FC5] =	sst s2  }
0x8f: {  	_ = 	snop  }
0x90: {  	s2 =	sld [smem:$0x3FC9]  }
0x91: {  	s18 =	sld [smem:$0x3FC8]  }
0x92: {  	s4 =	sld [smem:$0x3FD0];
	(tm) =	ssettm $0x1  }
0x93: {  	s5 =	sld [smem:$0x3FFB];
	_ =	sdelay $0x3  }
0x94: {  	_ =	strace s5  }
0x95: {  	s5 =	sld [smem:$0x3FFC];
	_ =	sdelay $0x3  }
0x96: {  	_ =	strace s5  }
0x97: {  	s5 =	sld [smem:$0x3FFD];
	_ =	sdelay $0x3  }
0x98: {  	_ =	strace s5  }
0x99: {  	_ =	strace $0x8FFFFFFF  }
0x9a: {  	s19 =	sld [smem:$0x3FDB];
	_ =	sdelay $0x1  }
0x9b: {  	s6 =	simm.s32 $_scs_section_size  }
0x9c: {  	s7 =	simm.s32 $_size__tile_overlayer_lowered;
	s8 =	simm.s32 $_tile_overlayer_lowered  }
0x9d: {  	s22 =	simm.s32 $0x1BFF;
	s21 =	sshll.u32 s8, $0x1;
	s5 =	sadd.s32 s6, s19  }
0x9e: {  	s9 =	simm.s32 $0x0;
	s20 =	sshll.u32 s7, $0x1;
	s7 =	sadd.s32 s21, s5  }
0x9f: {  	[timem:s9], [sflag:s22] =	dma.local [hbm:s7], s20  }
0xa0: {  	_ =	swait.ge [sflag:s22], s20  }
0xa1: {  	s6 =	ssub.s32 $0x0, s20;
	[sflag:s22] =	ssyncset.done $0x0  }
0xa2: {  	[sflag:s22] =	ssyncadd.s32 s6;
	_ =	sdelay $0x1  }
0xa3: {  	s23 =	simm.s32 $0x1B8B  }
0xa4: {  	_ =	swait.ge [sflag:s23], $0x1  }
0xa5: {  	[sflag:s23] =	ssyncset.done $0x0  }
0xa6: {  	s25 =	simm.s32 $0x1B8E;
	s24 =	sld [smem:$0x3FFE];
	[sflag:s23] =	ssyncadd.s32 $0xFFFFFFFF  }
0xa7: {  	s26 =	simm.s32 $execute0_lowered;
	[smem:$0x3FD2] =	sst s25  }
0xa8: {  	s7 =	sshll.u32 s26, $0x1;
	_ =	strace $0x80000046;
	[dreg:$0x1] =	wrdreg $0xFFFFFFFF  }
0xa9: {  	s28 =	simm.s32 $_size_execute0_lowered;
	s5 =	sadd.s32 s5, s7;
	[dreg:$0x0] =	wrdreg $0x0  }
0xaa: {  	s7 =	sshll.u32 s28, $0x1;
	[dreg:$0x2] =	wrdreg s5  }
0xab: {  	[dreg:$0x3] =	wrdreg s7  }
0xac: {  	[dreg:$0x4] =	wrdreg $0xC0  }
0xad: {  	_ =	task [dreg:s9], $0x5FFFF  }
0xae: {  	[dreg:$0x1] =	wrdreg $0xFFFFFFFF  }
0xaf: {  	[dreg:$0x0] =	wrdreg $0x60  }
0xb0: {  	[dreg:$0x2] =	wrdreg s2  }
0xb1: {  	[dreg:$0x3] =	wrdreg s18  }
0xb2: {  	[dreg:$0x4] =	wrdreg s24  }
0xb3: {  	[dreg:$0x5] =	wrdreg s4  }
0xb4: {  	[dreg:$0x6] =	wrdreg $0x9  }
0xb5: {  	_ =	task.clear_ibuf [dreg:s9], $0x7FFFF;
	_ =	strace $0x90000046  }
0xb6: {  	s29 =	simm.s32 $0x9;
	_ =	strace $0x80000048  }
0xb7: {  	_ =	swait.ge [sflag:s29], $0x1  }
0xb8: {  	[sflag:s29] =	ssyncadd.s32 $0xFFFFFFFF  }
0xb9: {  	_ =	strace $0x90000048  }
0xba: {  	_ =	sfence  }
0xbb: {  	s30 =	sld [smem:$0x0];
	_ =	sdelay $0x2  }
0xbc: {  	s31 =	sshll.u32 s1, $0xD;
	s1 =	sshrl.u32 s1, $0x2  }
0xbd: {  	s3 =	sand.u32 $0x4000, s31;
	s1 =	sadd.s32 s1, s30  }
0xbe: {  	s0 =	sor.u32 s3, s0;
	s1 =	sshll.u32 s1, $0x11  }
0xbf: {  	s0 =	sor.u32 s1, s0  }
0xc0: {  	s0 =	sadd.s32 $0x8F2B, s0  }
0xc1: {  	[sflag:s0] =	ssyncadd.remote.s32 $0x1  }
0xc2: {  	_ =	sfence.sel $0xFFFF  }
0xc3: {  	[dreg:$0x0] =	wrdreg $0xFFFFFFFF;
	(pc) =	sbr.abs _section_cstart, $3  }
0xc4: {  	[dreg:$0x1] =	wrdreg $0xFFFFFFFF  }
0xc5: {  	_ =	task.clear_ibuf [dreg:s9], $0x2FFFF;
	_ =	strace $0x9FFFFFFF  }
0xc6: {  	(tm) =	ssettm $0x7FFFFFFF  }
0xc7: {  	_ =	shalt  }
tec
execute0_lowered:
.L_overlay_start_1:
0x0: {  	(tag) =	ssettag $0x1  }
0x1: {  	s0 =	rddreg [dreg:$0x0]  }
0x2: {  	s2 =	rddreg [dreg:$0x1]  }
0x3: {  	s3 =	rddreg [dreg:$0x2];
	v1 =	vlaneseq.u32;
	v2 =	vimm.s32 $0x7654321;
	v4 =	vimm.s32 $0x10765432  }
0x4: {  	s6 =	rddreg [dreg:$0x3];
	s1 =	simm.s32 $0x0;
	s4 =	srdreg.scid;
	v6 =	vimm.s32 $0x21076543;
	v8 =	vimm.s32 $0x32107654;
	v10 =	vimm.s32 $0x43210765  }
0x5: {  	s8 =	stileid.u32;
	s9 =	simm.s32 $0x200;
	s10 =	simm.s32 $0x80;
	v12 =	vimm.s32 $0x65432107;
	v0 =	vmul.u32 $0x11, v1;
	v1 =	vand.u32 $0x7, v1  }
0x6: {  	s13 =	simm.s32 $0xC00;
	s14 =	simm.s32 $0x280;
	s15 =	simm.s32 $0x2C00;
	v3 =	vunpack.c.l.s4.s8 v2;
	v5 =	vunpack.c.l.s4.s8 v4;
	v7 =	vunpack.c.l.s4.s8 v6  }
0x7: {  	s16 =	simm.s32 $0x100;
	s17 =	simm.s32 $0x1400;
	s18 =	simm.s32 $0x300;
	v9 =	vunpack.c.l.s4.s8 v8;
	v11 =	vunpack.c.l.s4.s8 v10;
	v10 =	vimm.s32 $0x54321076  }
0x8: {  	s19 =	simm.s32 $0x3400;
	s20 =	simm.s32 $0x180;
	s21 =	simm.s32 $0x1C00;
	v15 =	vunpack.c.l.s4.s8 v12;
	v13 =	vunpack.c.l.s4.s8 v10;
	v2 =	vadd.s32 $0x1, v0  }
0x9: {  	s22 =	simm.s32 $0x380;
	s23 =	simm.s32 $0x3C00;
	s24 =	simm.s32 $0x1;
	v3 =	vunpack.c.0.s8.s32 v3;
	v4 =	vadd.s32 $0x2, v0;
	v5 =	vunpack.c.0.s8.s32 v5  }
0xa: {  	s25 =	simm.s32 $0x4400;
	s26 =	simm.s32 $0x6600;
	s28 =	simm.s32 $0x0;
	v6 =	vadd.s32 $0x3, v0;
	v7 =	vunpack.c.0.s8.s32 v7;
	v8 =	vadd.s32 $0x4, v0  }
0xb: {  	[smem:$0x7FF] =	sst s1;
	s4 =	sand.u32 $0x1, s4;
	s8 =	sshll.u32 s8, $0x7;
	v9 =	vunpack.c.0.s8.s32 v9;
	v10 =	vadd.s32 $0x5, v0;
	v11 =	vunpack.c.0.s8.s32 v11  }
0xc: {  	s3 =	sadd.s32 $0x400, s3;
	s5 =	ssub.s32 $0x2, s4;
	s4 =	sshll.u32 s4, $0x6;
	v12 =	vadd.s32 $0x6, v0;
	v14 =	vadd.s32 $0x7, v0;
	v15 =	vunpack.c.0.s8.s32 v15  }
0xd: {  	_ =	strace $0x80000047;
	s7 =	sshrl.u32 s5, $0x1;
	s8 =	sor.u32 s4, s8;
	v16 =	vadd.s32 $0x8, v0;
	v17 =	vadd.s32 $0x9, v0;
	v18 =	vadd.s32 $0xA, v0  }
0xe: {  	v19 =	vadd.s32 $0xB, v0;
	v20 =	vadd.s32 $0xC, v0;
	v21 =	vadd.s32 $0xD, v0;
	s7 =	ssub.s32 s5, s7;
	s4 =	sadd.s32 s0, s8;
	s5 =	sadd.s32 s2, s8  }
0xf: {  	v22 =	vadd.s32 $0xE, v0;
	v23 =	vadd.s32 $0xF, v0;
	s6 =	sadd.s32 s6, s8;
	s8 =	simm.s32 $0x2;
	v13 =	vunpack.c.0.s8.s32 v13;
	s7 =	smax.u32 s7, $0x1  }
.LBB2_1:
0x10: {  	[tilespmem:s1], [sflag:$0x2] =	stream.linear.gather [hbm4b:s4+s1], $0x200, $0x38;
	[tilespmem:$0x6800] =	vst v63  }
0x11: {  	_ =	swait.ge [sflag:s8], $0x200  }
0x12: {  	[sflag:s8] =	ssyncset.done $0x0  }
0x13: {  	[sflag:s8] =	ssyncadd.s32 $0xFFFFFE00  }
0x14: {  	[tilespmem:s9], [sflag:$0x2] =	stream.linear.gather [hbm4b:s5+s1], $0x200, $0x38;
	[tilespmem:$0x6800] =	vst v63  }
0x15: {  	_ =	swait.ge [sflag:s8], $0x200  }
0x16: {  	[sflag:s8] =	ssyncset.done $0x0  }
0x17: {  	s0 =	simm.s32 $0x0;
	[sflag:s8] =	ssyncadd.s32 $0xFFFFFE00  }
0x18: {  	v25 =	vld [tilespmem:s0+$0x0];
	_ =	sdelay $0x2  }
0x19: {  	v24 =	vld [tilespmem:s0+$0x200];
	_ =	sdelay $0x1  }
0x1a: {  	v27 =	vshll.u32 v25, $0x3;
	v28 =	vshrl.u32 v25, $0xC  }
0x1b: {  	s2 =	simm.s32 $0x40;
	s11 =	simm.s32 $0x80;
	v26 =	vand.u32 $0xFFFF8000, v25;
	v27 =	vand.u32 $0x7FF8, v27;
	v25 =	vand.u32 $0x7, v28  }
.LBB2_2:
0x1c: {  	p0 =	sne.s32 s11, $0x7C0  }
0x1d: {  	s12 =	sshra.s32 s2, $0x2;
	v26 =	vor.u32 v26, v27;
	v27 =	vshll.u32 v24, $0x3;
	v28 =	vand.u32 $0xFFFF8000, v24;
	s2 =	smov.u32 s11;
	s11 =	sadd.s32 $0x40, s11  }
0x1e: {  	v24 =	vshrl.u32 v24, $0xC;
	v25 =	vor.u32 v25, v26;
	v26 =	vand.u32 $0x7FF8, v27  }
0x1f: {  	v24 =	vand.u32 $0x7, v24;
	[tilespmem:s0+$0x0] =	vst v25;
	v25 =	vor.u32 v28, v26  }
0x20: {  	v27 =	vld [tilespmem:s12+$0x0];
	v24 =	vor.u32 v24, v25  }
0x21: {  	[tilespmem:s0+$0x200] =	vst v24;
	s0 =	smov.u32 s12  }
.Ltmp0:
0x22: {  	v24 =	vld [tilespmem:s0+$0x200];
	(pc) =	sbr.rel @p0 .LBB2_2-.Ltmp0, $3  }
0x23: {  	_ =	sdelay $0x1  }
0x24: {  	v25 =	vshll.u32 v27, $0x3;
	v26 =	vand.u32 $0xFFFF8000, v27;
	v28 =	vshrl.u32 v27, $0xC  }
0x25: {  	v27 =	vand.u32 $0x7FF8, v25;
	v25 =	vand.u32 $0x7, v28  }
0x26: {  	v26 =	vor.u32 v26, v27;
	v27 =	vshll.u32 v24, $0x3;
	v28 =	vand.u32 $0xFFFF8000, v24  }
0x27: {  	v24 =	vshrl.u32 v24, $0xC;
	v25 =	vor.u32 v25, v26;
	v26 =	vand.u32 $0x7FF8, v27  }
0x28: {  	s2 =	sshra.s32 s2, $0x2;
	v24 =	vand.u32 $0x7, v24;
	[tilespmem:s0+$0x0] =	vst v25;
	v25 =	vor.u32 v28, v26  }
0x29: {  	v26 =	vld [tilespmem:s2+$0x0];
	v24 =	vor.u32 v24, v25  }
0x2a: {  	[tilespmem:s0+$0x200] =	vst v24  }
0x2b: {  	v24 =	vld [tilespmem:s2+$0x200];
	_ =	sdelay $0x2  }
0x2c: {  	v25 =	vshll.u32 v26, $0x3  }
0x2d: {  	v27 =	vand.u32 $0xFFFF8000, v26;
	v26 =	vshrl.u32 v26, $0xC;
	v25 =	vand.u32 $0x7FF8, v25  }
0x2e: {  	v26 =	vand.u32 $0x7, v26;
	v25 =	vor.u32 v27, v25;
	v27 =	vshll.u32 v24, $0x3  }
0x2f: {  	v28 =	vand.u32 $0xFFFF8000, v24;
	v24 =	vshrl.u32 v24, $0xC;
	v27 =	vand.u32 $0x7FF8, v27  }
0x30: {  	v25 =	vor.u32 v26, v25;
	v24 =	vand.u32 $0x7, v24;
	v26 =	vor.u32 v28, v27  }
0x31: {  	[tilespmem:s2+$0x0] =	vst v25;
	v24 =	vor.u32 v24, v26  }
0x32: {  	s12 =	simm.s32 $0x400;
	s0 =	simm.s32 $0x0;
	[tilespmem:s2+$0x200] =	vst v24  }
0x33: {  	[tilespmem:s12], [sflag:$0x1] =	stream.indirect.gather [hbm4b:s3+s10], $0x10, s0, s10, $0xb8;
	[tilespmem:$0x6800] =	vst v63  }
0x34: {  	s11 =	simm.s32 $0x2400  }
0x35: {  	[tilespmem:s11], [sflag:$0x1] =	stream.indirect.gather [hbm4b:s3+s10], $0x10, s9, s10, $0xb8;
	[tilespmem:$0x6800] =	vst v63  }
0x36: {  	_ = 	snop  }
0x37: {  	[tilespmem:s13], [sflag:$0x1] =	stream.indirect.gather [hbm4b:s3+s10], $0x10, s10, s10, $0xb8;
	[tilespmem:$0x6800] =	vst v63  }
0x38: {  	_ = 	snop  }
0x39: {  	[tilespmem:s15], [sflag:$0x1] =	stream.indirect.gather [hbm4b:s3+s10], $0x10, s14, s10, $0xb8;
	[tilespmem:$0x6800] =	vst v63  }
0x3a: {  	_ = 	snop  }
0x3b: {  	[tilespmem:s17], [sflag:$0x1] =	stream.indirect.gather [hbm4b:s3+s10], $0x10, s16, s10, $0xb8;
	[tilespmem:$0x6800] =	vst v63  }
0x3c: {  	_ = 	snop  }
0x3d: {  	[tilespmem:s19], [sflag:$0x1] =	stream.indirect.gather [hbm4b:s3+s10], $0x10, s18, s10, $0xb8;
	[tilespmem:$0x6800] =	vst v63  }
0x3e: {  	_ = 	snop  }
0x3f: {  	[tilespmem:s21], [sflag:$0x1] =	stream.indirect.gather [hbm4b:s3+s10], $0x10, s20, s10, $0xb8;
	[tilespmem:$0x6800] =	vst v63  }
0x40: {  	_ = 	snop  }
0x41: {  	[tilespmem:s23], [sflag:$0x1] =	stream.indirect.gather [hbm4b:s3+s10], $0x10, s22, s10, $0xb8;
	[tilespmem:$0x6800] =	vst v63  }
0x42: {  	_ =	swait.ge [sflag:s24], $0x800  }
0x43: {  	[sflag:s24] =	ssyncset.done $0x0  }
0x44: {  	[sflag:s24] =	ssyncadd.s32 $0xFFFFF800  }
0x45: {  	_ =	swait.ge [sflag:s24], $0x800  }
0x46: {  	[sflag:s24] =	ssyncset.done $0x0  }
0x47: {  	[sflag:s24] =	ssyncadd.s32 $0xFFFFF800  }
0x48: {  	_ =	swait.ge [sflag:s24], $0x800  }
0x49: {  	[sflag:s24] =	ssyncset.done $0x0  }
0x4a: {  	[sflag:s24] =	ssyncadd.s32 $0xFFFFF800  }
0x4b: {  	_ =	swait.ge [sflag:s24], $0x800  }
0x4c: {  	[sflag:s24] =	ssyncset.done $0x0  }
0x4d: {  	[sflag:s24] =	ssyncadd.s32 $0xFFFFF800  }
0x4e: {  	_ =	swait.ge [sflag:s24], $0x800  }
0x4f: {  	[sflag:s24] =	ssyncset.done $0x0  }
0x50: {  	[sflag:s24] =	ssyncadd.s32 $0xFFFFF800  }
0x51: {  	_ =	swait.ge [sflag:s24], $0x800  }
0x52: {  	[sflag:s24] =	ssyncset.done $0x0  }
0x53: {  	[sflag:s24] =	ssyncadd.s32 $0xFFFFF800  }
0x54: {  	_ =	swait.ge [sflag:s24], $0x800  }
0x55: {  	[sflag:s24] =	ssyncset.done $0x0  }
0x56: {  	[sflag:s24] =	ssyncadd.s32 $0xFFFFF800  }
0x57: {  	_ =	swait.ge [sflag:s24], $0x800  }
0x58: {  	[sflag:s24] =	ssyncset.done $0x0  }
0x59: {  	s29 =	simm.s32 $0x2480;
	[sflag:s24] =	ssyncadd.s32 $0xFFFFF800  }
0x5a: {  	s30 =	simm.s32 $0x480;
	v24 =	vld [tilespmem:s29+$0xFFFFFF80]  }
0x5b: {  	v25 =	vld [tilespmem:s30+$0xFFFFFF80];
	_ =	sdelay $0x4  }
0x5c: {  	v24 =	vmul.f32 v24, v25  }
0x5d: {  	s12 =	simm.s32 $0x4488  }
0x5e: {  	[tilespmem:s12+$0xFFFFFF78] =	vst v24  }
0x5f: {  	v24 =	vld [tilespmem:s30+$0xFFFFFF90]  }
0x60: {  	v25 =	vld [tilespmem:s29+$0xFFFFFF90];
	_ =	sdelay $0x4  }
0x61: {  	v24 =	vmul.f32 v25, v24;
	_ =	sdelay $0x1  }
0x62: {  	[tilespmem:s12+$0xFFFFFF89] =	vst v24  }
0x63: {  	v24 =	vld [tilespmem:s30+$0xFFFFFFA0]  }
0x64: {  	v25 =	vld [tilespmem:s29+$0xFFFFFFA0];
	_ =	sdelay $0x4  }
0x65: {  	v24 =	vmul.f32 v25, v24;
	_ =	sdelay $0x1  }
0x66: {  	[tilespmem:s12+$0xFFFFFF9A] =	vst v24  }
0x67: {  	v24 =	vld [tilespmem:s30+$0xFFFFFFB0]  }
0x68: {  	v25 =	vld [tilespmem:s29+$0xFFFFFFB0];
	_ =	sdelay $0x4  }
0x69: {  	v24 =	vmul.f32 v25, v24;
	_ =	sdelay $0x1  }
0x6a: {  	[tilespmem:s12+$0xFFFFFFAB] =	vst v24  }
0x6b: {  	v24 =	vld [tilespmem:s30+$0xFFFFFFC0]  }
0x6c: {  	v25 =	vld [tilespmem:s29+$0xFFFFFFC0];
	_ =	sdelay $0x4  }
0x6d: {  	v24 =	vmul.f32 v25, v24;
	_ =	sdelay $0x1  }
0x6e: {  	[tilespmem:s12+$0xFFFFFFBC] =	vst v24  }
0x6f: {  	v24 =	vld [tilespmem:s30+$0xFFFFFFD0]  }
0x70: {  	v25 =	vld [tilespmem:s29+$0xFFFFFFD0];
	_ =	sdelay $0x4  }
0x71: {  	v24 =	vmul.f32 v25, v24;
	_ =	sdelay $0x1  }
0x72: {  	[tilespmem:s12+$0xFFFFFFCD] =	vst v24  }
0x73: {  	v24 =	vld [tilespmem:s30+$0xFFFFFFE0]  }
0x74: {  	v25 =	vld [tilespmem:s29+$0xFFFFFFE0];
	_ =	sdelay $0x4  }
0x75: {  	v24 =	vmul.f32 v25, v24;
	_ =	sdelay $0x1  }
0x76: {  	[tilespmem:s12+$0xFFFFFFDE] =	vst v24  }
0x77: {  	v24 =	vld [tilespmem:s30+$0xFFFFFFF0]  }
0x78: {  	v25 =	vld [tilespmem:s29+$0xFFFFFFF0];
	_ =	sdelay $0x4  }
0x79: {  	v24 =	vmul.f32 v25, v24;
	_ =	sdelay $0x1  }
0x7a: {  	[tilespmem:s12+$0xFFFFFFEF] =	vst v24  }
0x7b: {  	v24 =	vld [tilespmem:s30+$0x0]  }
0x7c: {  	v25 =	vld [tilespmem:s29+$0x0];
	_ =	sdelay $0x4  }
0x7d: {  	v24 =	vmul.f32 v25, v24;
	_ =	sdelay $0x1  }
0x7e: {  	[tilespmem:s12+$0x0] =	vst v24  }
0x7f: {  	v24 =	vld [tilespmem:s30+$0x10]  }
0x80: {  	v25 =	vld [tilespmem:s29+$0x10];
	_ =	sdelay $0x4  }
0x81: {  	v24 =	vmul.f32 v25, v24;
	_ =	sdelay $0x1  }
0x82: {  	[tilespmem:s12+$0x11] =	vst v24  }
0x83: {  	v24 =	vld [tilespmem:s30+$0x20]  }
0x84: {  	v25 =	vld [tilespmem:s29+$0x20];
	_ =	sdelay $0x4  }
0x85: {  	v24 =	vmul.f32 v25, v24;
	_ =	sdelay $0x1  }
0x86: {  	[tilespmem:s12+$0x22] =	vst v24  }
0x87: {  	v24 =	vld [tilespmem:s30+$0x30]  }
0x88: {  	v25 =	vld [tilespmem:s29+$0x30];
	_ =	sdelay $0x4  }
0x89: {  	v24 =	vmul.f32 v25, v24;
	_ =	sdelay $0x1  }
0x8a: {  	[tilespmem:s12+$0x33] =	vst v24  }
0x8b: {  	v24 =	vld [tilespmem:s30+$0x40]  }
0x8c: {  	v25 =	vld [tilespmem:s29+$0x40];
	_ =	sdelay $0x4  }
0x8d: {  	v24 =	vmul.f32 v25, v24;
	_ =	sdelay $0x1  }
0x8e: {  	[tilespmem:s12+$0x44] =	vst v24  }
0x8f: {  	v24 =	vld [tilespmem:s30+$0x50]  }
0x90: {  	v25 =	vld [tilespmem:s29+$0x50];
	_ =	sdelay $0x4  }
0x91: {  	v24 =	vmul.f32 v25, v24;
	_ =	sdelay $0x1  }
0x92: {  	[tilespmem:s12+$0x55] =	vst v24  }
0x93: {  	v24 =	vld [tilespmem:s30+$0x60]  }
0x94: {  	v25 =	vld [tilespmem:s29+$0x60];
	_ =	sdelay $0x4  }
0x95: {  	v24 =	vmul.f32 v25, v24;
	v25 =	vmov s0  }
0x96: {  	v25 =	vmul.u32 $0x11, v25  }
0x97: {  	[tilespmem:s12+$0x66] =	vst v24  }
0x98: {  	v24 =	vld [tilespmem:s30+$0x70];
	v26 =	vbroadcast v25, $0x0  }
0x99: {  	v25 =	vld [tilespmem:s29+$0x70]  }
0x9a: {  	v27 =	vadd.s32 v0, v26;
	v28 =	vadd.s32 v2, v26  }
0x9b: {  	v29 =	vadd.s32 v4, v26;
	v30 =	vadd.s32 v6, v26;
	v27 =	vand.u32 $0xFFFFFFF8, v27  }
0x9c: {  	v31 =	vadd.s32 v8, v26;
	v32 =	vadd.s32 v12, v26;
	v27 =	vor.u32 v1, v27  }
0x9d: {  	v55 =	vadd.s32 v14, v26;
	v33 =	vadd.s32 v16, v26;
	v28 =	vand.u32 $0xFFFFFFF8, v28  }
0x9e: {  	v30 =	vand.u32 $0xFFFFFFF8, v30;
	v28 =	vor.u32 v3, v28;
	v24 =	vmul.f32 v25, v24  }
0x9f: {  	v34 =	vadd.s32 v17, v26;
	v29 =	vand.u32 $0xFFFFFFF8, v29;
	v30 =	vor.u32 v7, v30  }
0xa0: {  	v31 =	vand.u32 $0xFFFFFFF8, v31;
	v25 =	vor.u32 v5, v29;
	v29 =	vadd.s32 v10, v26;
	[tilespmem:s12+$0x77] =	vst v24  }
0xa1: {  	v56 =	vadd.s32 v18, v26;
	v29 =	vand.u32 $0xFFFFFFF8, v29;
	v24 =	vor.u32 v9, v31;
	v27 =	vld.idx.msk [tilespmem:v27+s25+$0x0], $0xffff  }
0xa2: {  	v36 =	vadd.s32 v19, v26;
	v31 =	vand.u32 $0xFFFFFFF8, v32;
	v29 =	vor.u32 v11, v29  }
0xa3: {  	v58 =	vadd.s32 v21, v26;
	v33 =	vand.u32 $0xFFFFFFF8, v33;
	v31 =	vor.u32 v13, v31;
	v28 =	vld.idx.msk [tilespmem:v28+s25+$0x0], $0xffff  }
0xa4: {  	v60 =	vadd.s32 v22, v26;
	v33 =	vor.u32 v1, v33;
	v32 =	vand.u32 $0xFFFFFFF8, v55;
	v30 =	vld.idx.msk [tilespmem:v30+s25+$0x0], $0xffff  }
0xa5: {  	v40 =	vadd.s32 v23, v26;
	v32 =	vor.u32 v15, v32;
	v35 =	vld.idx.msk [tilespmem:v25+s25+$0x0], $0xffff;
	v25 =	vand.u32 $0xFFFFFFF8, v34  }
0xa6: {  	v34 =	vand.u32 $0xFFFFFFF8, v56;
	v38 =	vor.u32 v3, v25;
	v37 =	vld.idx.msk [tilespmem:v24+s25+$0x0], $0xffff;
	v27 =	vadd.f32 $0.0e+00, v27  }
0xa7: {  	v25 =	vadd.s32 v20, v26;
	v24 =	vand.u32 $0xFFFFFFF8, v36;
	v57 =	vld.idx.msk [tilespmem:v29+s25+$0x0], $0xffff;
	v29 =	vor.u32 v5, v34  }
0xa8: {  	v39 =	vand.u32 $0xFFFFFFF8, v25;
	v25 =	vld.idx.msk [tilespmem:v31+s25+$0x0], $0xffff;
	v31 =	vor.u32 v7, v24;
	v28 =	vadd.f32 v28, v27  }
0xa9: {  	v62 =	vand.u32 $0xFFFFFFF8, v60;
	v26 =	vld.idx.msk [tilespmem:v33+s25+$0x0], $0xffff;
	v34 =	vand.u32 $0xFFFFFFF8, v58;
	v59 =	vor.u32 v9, v39  }
0xaa: {  	v24 =	vld.idx.msk [tilespmem:v32+s25+$0x0], $0xffff;
	v61 =	vor.u32 v11, v34;
	v34 =	vor.u32 v13, v62;
	v35 =	vadd.f32 v35, v28  }
0xab: {  	v63 =	vand.u32 $0xFFFFFFF8, v40;
	v27 =	vld.idx.msk [tilespmem:v38+s25+$0x0], $0xffff  }
0xac: {  	v38 =	vor.u32 v15, v63;
	v28 =	vld.idx.msk [tilespmem:v29+s25+$0x0], $0xffff;
	v35 =	vadd.f32 v30, v35  }
0xad: {  	v29 =	vld.idx.msk [tilespmem:v31+s25+$0x0], $0xffff  }
0xae: {  	v31 =	vld.idx.msk [tilespmem:v59+s25+$0x0], $0xffff;
	v35 =	vadd.f32 v37, v35  }
0xaf: {  	v32 =	vld.idx.msk [tilespmem:v34+s25+$0x0], $0xffff  }
0xb0: {  	s31 =	simm.s32 $0x6600;
	v30 =	vld.idx.msk [tilespmem:v61+s25+$0x0], $0xffff;
	v34 =	vadd.f32 v57, v35  }
0xb1: {  	s2 =	simm.s32 $0x10;
	s11 =	simm.s32 $0x4598;
	s0 =	simm.s32 $0x6600;
	v33 =	vld.idx.msk [tilespmem:v38+s25+$0x0], $0xffff  }
.LBB2_4:
0xb2: {  	v25 =	vadd.f32 v25, v34;
	s29 =	sadd.s32 $0x100, s29;
	s30 =	sadd.s32 $0x100, s30;
	s0 =	sadd.s32 $0x10, s0  }
0xb3: {  	p0 =	sne.s32 s2, $0x1F0;
	s12 =	smov.u32 s2;
	s2 =	sadd.s32 $0x10, s2  }
0xb4: {  	v24 =	vadd.f32 v24, v25;
	_ =	sdelay $0x1  }
0xb5: {  	v24 =	vadd.f32 v26, v24;
	_ =	sdelay $0x1  }
0xb6: {  	v24 =	vadd.f32 v27, v24;
	_ =	sdelay $0x1  }
0xb7: {  	v24 =	vadd.f32 v28, v24;
	_ =	sdelay $0x1  }
0xb8: {  	v24 =	vadd.f32 v29, v24;
	_ =	sdelay $0x1  }
0xb9: {  	v24 =	vadd.f32 v31, v24;
	_ =	sdelay $0x1  }
0xba: {  	v24 =	vadd.f32 v30, v24;
	_ =	sdelay $0x1  }
0xbb: {  	v24 =	vadd.f32 v32, v24;
	_ =	sdelay $0x1  }
0xbc: {  	v24 =	vadd.f32 v33, v24;
	_ =	sdelay $0x1  }
0xbd: {  	[tilespmem:s31+$0x0] =	vst v24;
	s31 =	smov.u32 s0  }
0xbe: {  	v24 =	vld [tilespmem:s29+$0xFFFFFF80]  }
0xbf: {  	v25 =	vld [tilespmem:s30+$0xFFFFFF80];
	_ =	sdelay $0x4  }
0xc0: {  	v24 =	vmul.f32 v24, v25;
	_ =	sdelay $0x1  }
0xc1: {  	[tilespmem:s11+$0xFFFFFF78] =	vst v24  }
0xc2: {  	v24 =	vld [tilespmem:s30+$0xFFFFFF90]  }
0xc3: {  	v25 =	vld [tilespmem:s29+$0xFFFFFF90];
	_ =	sdelay $0x4  }
0xc4: {  	v24 =	vmul.f32 v25, v24;
	_ =	sdelay $0x1  }
0xc5: {  	[tilespmem:s11+$0xFFFFFF89] =	vst v24  }
0xc6: {  	v24 =	vld [tilespmem:s30+$0xFFFFFFA0]  }
0xc7: {  	v25 =	vld [tilespmem:s29+$0xFFFFFFA0];
	_ =	sdelay $0x4  }
0xc8: {  	v24 =	vmul.f32 v25, v24;
	_ =	sdelay $0x1  }
0xc9: {  	[tilespmem:s11+$0xFFFFFF9A] =	vst v24  }
0xca: {  	v24 =	vld [tilespmem:s30+$0xFFFFFFB0]  }
0xcb: {  	v25 =	vld [tilespmem:s29+$0xFFFFFFB0];
	_ =	sdelay $0x4  }
0xcc: {  	v24 =	vmul.f32 v25, v24;
	_ =	sdelay $0x1  }
0xcd: {  	[tilespmem:s11+$0xFFFFFFAB] =	vst v24  }
0xce: {  	v24 =	vld [tilespmem:s30+$0xFFFFFFC0]  }
0xcf: {  	v25 =	vld [tilespmem:s29+$0xFFFFFFC0];
	_ =	sdelay $0x4  }
0xd0: {  	v24 =	vmul.f32 v25, v24;
	_ =	sdelay $0x1  }
0xd1: {  	[tilespmem:s11+$0xFFFFFFBC] =	vst v24  }
0xd2: {  	v24 =	vld [tilespmem:s30+$0xFFFFFFD0]  }
0xd3: {  	v25 =	vld [tilespmem:s29+$0xFFFFFFD0];
	_ =	sdelay $0x4  }
0xd4: {  	v24 =	vmul.f32 v25, v24;
	_ =	sdelay $0x1  }
0xd5: {  	[tilespmem:s11+$0xFFFFFFCD] =	vst v24  }
0xd6: {  	v24 =	vld [tilespmem:s30+$0xFFFFFFE0]  }
0xd7: {  	v25 =	vld [tilespmem:s29+$0xFFFFFFE0];
	_ =	sdelay $0x4  }
0xd8: {  	v24 =	vmul.f32 v25, v24;
	_ =	sdelay $0x1  }
0xd9: {  	[tilespmem:s11+$0xFFFFFFDE] =	vst v24  }
0xda: {  	v24 =	vld [tilespmem:s30+$0xFFFFFFF0]  }
0xdb: {  	v25 =	vld [tilespmem:s29+$0xFFFFFFF0];
	_ =	sdelay $0x4  }
0xdc: {  	v24 =	vmul.f32 v25, v24;
	_ =	sdelay $0x1  }
0xdd: {  	[tilespmem:s11+$0xFFFFFFEF] =	vst v24  }
0xde: {  	v24 =	vld [tilespmem:s30+$0x0]  }
0xdf: {  	v25 =	vld [tilespmem:s29+$0x0];
	_ =	sdelay $0x4  }
0xe0: {  	v24 =	vmul.f32 v25, v24;
	_ =	sdelay $0x1  }
0xe1: {  	[tilespmem:s11+$0x0] =	vst v24  }
0xe2: {  	v24 =	vld [tilespmem:s30+$0x10]  }
0xe3: {  	v25 =	vld [tilespmem:s29+$0x10];
	_ =	sdelay $0x4  }
0xe4: {  	v24 =	vmul.f32 v25, v24;
	_ =	sdelay $0x1  }
0xe5: {  	[tilespmem:s11+$0x11] =	vst v24  }
0xe6: {  	v24 =	vld [tilespmem:s30+$0x20]  }
0xe7: {  	v25 =	vld [tilespmem:s29+$0x20];
	_ =	sdelay $0x4  }
0xe8: {  	v24 =	vmul.f32 v25, v24;
	_ =	sdelay $0x1  }
0xe9: {  	[tilespmem:s11+$0x22] =	vst v24  }
0xea: {  	v24 =	vld [tilespmem:s30+$0x30]  }
0xeb: {  	v25 =	vld [tilespmem:s29+$0x30];
	_ =	sdelay $0x4  }
0xec: {  	v24 =	vmul.f32 v25, v24;
	_ =	sdelay $0x1  }
0xed: {  	[tilespmem:s11+$0x33] =	vst v24  }
0xee: {  	v24 =	vld [tilespmem:s30+$0x40]  }
0xef: {  	v25 =	vld [tilespmem:s29+$0x40];
	_ =	sdelay $0x4  }
0xf0: {  	v24 =	vmul.f32 v25, v24;
	_ =	sdelay $0x1  }
0xf1: {  	[tilespmem:s11+$0x44] =	vst v24  }
0xf2: {  	v24 =	vld [tilespmem:s30+$0x50]  }
0xf3: {  	v25 =	vld [tilespmem:s29+$0x50];
	_ =	sdelay $0x4  }
0xf4: {  	v24 =	vmul.f32 v25, v24;
	_ =	sdelay $0x1  }
0xf5: {  	[tilespmem:s11+$0x55] =	vst v24  }
0xf6: {  	v24 =	vld [tilespmem:s30+$0x60]  }
0xf7: {  	v25 =	vld [tilespmem:s29+$0x60];
	_ =	sdelay $0x4  }
0xf8: {  	v24 =	vmul.f32 v25, v24;
	v25 =	vmov s12  }
0xf9: {  	v25 =	vmul.u32 $0x11, v25  }
0xfa: {  	[tilespmem:s11+$0x66] =	vst v24  }
0xfb: {  	v24 =	vld [tilespmem:s30+$0x70];
	v26 =	vbroadcast v25, $0x0  }
0xfc: {  	v25 =	vld [tilespmem:s29+$0x70]  }
0xfd: {  	v27 =	vadd.s32 v0, v26;
	v28 =	vadd.s32 v2, v26;
	v29 =	vadd.s32 v4, v26  }
0xfe: {  	v27 =	vand.u32 $0xFFFFFFF8, v27;
	v28 =	vand.u32 $0xFFFFFFF8, v28;
	v29 =	vand.u32 $0xFFFFFFF8, v29  }
0xff: {  	v30 =	vadd.s32 v6, v26;
	v31 =	vadd.s32 v8, v26;
	v27 =	vor.u32 v1, v27  }
0x100: {  	v30 =	vand.u32 $0xFFFFFFF8, v30;
	v31 =	vand.u32 $0xFFFFFFF8, v31;
	v28 =	vor.u32 v3, v28  }
0x101: {  	v24 =	vmul.f32 v25, v24;
	v25 =	vor.u32 v5, v29;
	v29 =	vadd.s32 v10, v26  }
0x102: {  	v32 =	vadd.s32 v12, v26;
	v30 =	vor.u32 v7, v30;
	v29 =	vand.u32 $0xFFFFFFF8, v29  }
0x103: {  	[tilespmem:s11+$0x77] =	vst v24;
	v24 =	vor.u32 v9, v31;
	v31 =	vand.u32 $0xFFFFFFF8, v32;
	v32 =	vadd.s32 v14, v26  }
0x104: {  	v33 =	vadd.s32 v16, v26;
	v29 =	vor.u32 v11, v29;
	v27 =	vld.idx.msk [tilespmem:v27+s25+$0x0], $0xffff;
	v32 =	vand.u32 $0xFFFFFFF8, v32  }
0x105: {  	v34 =	vadd.s32 v17, v26;
	v33 =	vand.u32 $0xFFFFFFF8, v33;
	v31 =	vor.u32 v13, v31;
	v28 =	vld.idx.msk [tilespmem:v28+s25+$0x0], $0xffff  }
0x106: {  	v32 =	vor.u32 v15, v32;
	v35 =	vld.idx.msk [tilespmem:v25+s25+$0x0], $0xffff;
	v25 =	vand.u32 $0xFFFFFFF8, v34;
	v34 =	vadd.s32 v18, v26  }
0x107: {  	v36 =	vadd.s32 v19, v26;
	v33 =	vor.u32 v1, v33;
	v30 =	vld.idx.msk [tilespmem:v30+s25+$0x0], $0xffff;
	v34 =	vand.u32 $0xFFFFFFF8, v34  }
0x108: {  	v38 =	vor.u32 v3, v25;
	v25 =	vadd.s32 v20, v26;
	v37 =	vld.idx.msk [tilespmem:v24+s25+$0x0], $0xffff;
	v24 =	vand.u32 $0xFFFFFFF8, v36  }
0x109: {  	v39 =	vadd.s32 v21, v26;
	v36 =	vld.idx.msk [tilespmem:v29+s25+$0x0], $0xffff;
	v29 =	vor.u32 v5, v34;
	v34 =	vand.u32 $0xFFFFFFF8, v25  }
0x10a: {  	v39 =	vand.u32 $0xFFFFFFF8, v39;
	v27 =	vadd.f32 $0.0e+00, v27;
	v25 =	vld.idx.msk [tilespmem:v31+s25+$0x0], $0xffff;
	v31 =	vor.u32 v7, v24  }
0x10b: {  	v40 =	vadd.s32 v23, v26;
	v24 =	vld.idx.msk [tilespmem:v32+s25+$0x0], $0xffff;
	v32 =	vor.u32 v9, v34;
	v34 =	vadd.s32 v22, v26  }
0x10c: {  	v28 =	vadd.f32 v28, v27;
	v26 =	vld.idx.msk [tilespmem:v33+s25+$0x0], $0xffff;
	v33 =	vor.u32 v11, v39;
	v34 =	vand.u32 $0xFFFFFFF8, v34  }
0x10d: {  	v27 =	vld.idx.msk [tilespmem:v38+s25+$0x0], $0xffff;
	v34 =	vor.u32 v13, v34;
	v38 =	vand.u32 $0xFFFFFFF8, v40  }
0x10e: {  	v35 =	vadd.f32 v35, v28;
	v28 =	vld.idx.msk [tilespmem:v29+s25+$0x0], $0xffff;
	v38 =	vor.u32 v15, v38  }
0x10f: {  	v29 =	vld.idx.msk [tilespmem:v31+s25+$0x0], $0xffff  }
0x110: {  	v35 =	vadd.f32 v30, v35;
	v31 =	vld.idx.msk [tilespmem:v32+s25+$0x0], $0xffff  }
.Ltmp1:
0x111: {  	v30 =	vld.idx.msk [tilespmem:v33+s25+$0x0], $0xffff;
	(pc) =	sbr.rel @p0 .LBB2_4-.Ltmp1, $4  }
0x112: {  	v35 =	vadd.f32 v37, v35;
	v32 =	vld.idx.msk [tilespmem:v34+s25+$0x0], $0xffff  }
0x113: {  	v33 =	vld.idx.msk [tilespmem:v38+s25+$0x0], $0xffff  }
0x114: {  	v34 =	vadd.f32 v36, v35  }
0x115: {  	s11 =	sadd.s32 $0x110, s11  }
0x116: {  	v25 =	vadd.f32 v25, v34;
	_ =	sdelay $0x1  }
0x117: {  	v24 =	vadd.f32 v24, v25;
	_ =	sdelay $0x1  }
0x118: {  	v24 =	vadd.f32 v26, v24;
	_ =	sdelay $0x1  }
0x119: {  	v24 =	vadd.f32 v27, v24;
	_ =	sdelay $0x1  }
0x11a: {  	v24 =	vadd.f32 v28, v24;
	_ =	sdelay $0x1  }
0x11b: {  	v24 =	vadd.f32 v29, v24;
	_ =	sdelay $0x1  }
0x11c: {  	v24 =	vadd.f32 v31, v24;
	_ =	sdelay $0x1  }
0x11d: {  	v24 =	vadd.f32 v30, v24;
	_ =	sdelay $0x1  }
0x11e: {  	v24 =	vadd.f32 v32, v24;
	_ =	sdelay $0x1  }
0x11f: {  	s28 =	sadd.s32 $0x1, s28;
	v24 =	vadd.f32 v33, v24  }
0x120: {  	p0 =	sne.s32 s28, s7  }
.Ltmp2:
0x121: {  	[tilespmem:s31+$0x0] =	vst v24;
	(pc) =	sbr.rel @p0 .LBB2_1-.Ltmp2, $4  }
0x122: {  	[hbm4b:s6+s1] =	stream.linear.scatter [tilespmem:s26], [sflag:$0x2], $0x200, $0x38;
	[tilespmem:$0x6800] =	vst v63  }
0x123: {  	_ =	swait.ge [sflag:s8], $0x200  }
0x124: {  	[sflag:s8] =	ssyncset.done $0x0  }
0x125: {  	[sflag:s8] =	ssyncadd.s32 $0xFFFFFE00  }
0x126: {  	_ =	sfence.sel $0x180000  }
0x127: {  	[bflag:$0x0] =	sbarrier.arrive $0xFFFF  }
0x128: {  	_ =	strace $0x90000047  }
0x129: {  	s0 =	stileid.u32;
	[bflag:$0x2] =	sbarrier.arrive $0xFFFF  }
0x12a: {  	p0 =	sne.s32 s0, $0x0;
	s0 =	rddreg [dreg:$0x4]  }
0x12b: {  	s0 =	sadd.s32 @!p0 $0x100000, s0  }
0x12c: {  	[sflag:s0] =	ssyncadd.tile.s32 @!p0 $0x1;
	_ =	shalt  }
.Lfunc_end2:
_tile_overlayer_lowered:
.L_overlay_start_2:
0x12d: {  	(tag) =	ssettag $0x2  }
0x12e: {  	s0 =	rddreg [dreg:$0x0];
	s2 =	stileid.u32  }
0x12f: {  	s1 =	rddreg [dreg:$0x1];
	p0 =	sne.s32 s2, $0x0  }
0x130: {  	s3 =	rddreg [dreg:$0x2];
	[bflag:$0x3] =	sbarrier.arrive $0xFFFF;
	s2 =	simm.s32 @!p0 $0x1C02  }
0x131: {  	[timem:s3], [sflag:s2] =	dma.local @!p0 [hbm:s0], s1  }
0x132: {  	s0 =	simm.s32 @!p0 $0x2  }
0x133: {  	_ =	swait.ge @!p0 [sflag:s0], s1  }
0x134: {  	s1 =	ssub.s32 @!p0 $0x0, s1;
	[sflag:s0] =	ssyncset.done @!p0 $0x0  }
0x135: {  	[sflag:s0] =	ssyncadd.s32 @!p0 s1  }
0x136: {  	[bflag:$0x3] =	sbarrier.arrive $0xFFFF  }
0x137: {  	_ =	shalt  }

</sc_bundles>
